<compile_context>
chip_gen: v7x
topology: tpu7x:2x2x1
jax: 0.10.2.dev20260603
libtpu: 0.0.44.dev20260713+nightly
codegen_flags: <defaults>
</compile_context>

<pallas_src>
import functools

import jax
import jax.numpy as jnp
from jax import lax
from jax.experimental import pallas as pl
from jax.experimental.pallas import tpu as pltpu
from jax.experimental.pallas import tpu_sc as plsc

NC = 2
NS = 16
NW = NC * NS
CB = 128

DEGW = 16

_MESH = plsc.VectorSubcoreMesh(
    core_axis_name="c", subcore_axis_name="s", num_cores=NC, num_subcores=NS
)

_SC_PARAMS = pltpu.CompilerParams(use_tc_tiling_on_sc=False)


def _sc_degree_fn(npad, nchunk):
    rows_per_tile = npad // NS

    @functools.partial(
        pl.kernel,
        out_type=jax.ShapeDtypeStruct((NC, npad, DEGW), jnp.float32),
        mesh=_MESH,
        compiler_params=_SC_PARAMS,
        scratch_types=[
            pltpu.VMEM((nchunk, CB), jnp.int32),
            pltpu.VMEM((CB, DEGW), jnp.float32),
            pltpu.VMEM_SHARED((npad, DEGW), jnp.float32),
        ],
    )
    def deg_kernel(dst_hbm, ones_hbm, zeros_hbm, out_hbm, dstv, onesv, acc):
        c = lax.axis_index("c")
        s = lax.axis_index("s")
        wid = s * NC + c
        r0 = s * rows_per_tile
        pltpu.sync_copy(zeros_hbm.at[pl.ds(r0, rows_per_tile)],
                        acc.at[pl.ds(r0, rows_per_tile)])
        pltpu.sync_copy(ones_hbm, onesv)
        pltpu.sync_copy(dst_hbm.at[wid], dstv)
        plsc.subcore_barrier()

        def body(j, carry):
            pltpu.sync_copy(onesv, acc.at[dstv.at[j]], add=True)
            return carry

        lax.fori_loop(0, nchunk, body, 0)
        plsc.subcore_barrier()
        pltpu.sync_copy(acc.at[pl.ds(r0, rows_per_tile)],
                        out_hbm.at[c, pl.ds(r0, rows_per_tile)])

    return deg_kernel


def _sc_scatter_fn(n, h, npad, nchunk):
    rows_per_tile = npad // NS

    @functools.partial(
        pl.kernel,
        out_type=jax.ShapeDtypeStruct((NC, npad, h), jnp.float32),
        mesh=_MESH,
        compiler_params=_SC_PARAMS,
        scratch_types=[
            pltpu.VMEM((nchunk, CB), jnp.int32),
            pltpu.VMEM((nchunk, CB), jnp.int32),
            pltpu.VMEM((CB, h), jnp.float32),
            pltpu.VMEM((CB, h), jnp.float32),
            pltpu.VMEM_SHARED((npad, h), jnp.float32),
            pltpu.VMEM_SHARED((npad, h), jnp.float32),
            pltpu.SemaphoreType.DMA,
            pltpu.SemaphoreType.DMA,
            pltpu.SemaphoreType.DMA,
            pltpu.SemaphoreType.DMA,
        ],
    )
    def scatter_kernel(g_hbm, src_hbm, dst_hbm, zeros_hbm, out_hbm,
                       srcv, dstv, rows0, rows1, gtab, acc,
                       sem0, sem1, sem2, sem3):
        c = lax.axis_index("c")
        s = lax.axis_index("s")
        wid = s * NC + c
        r0 = s * rows_per_tile
        cp_g = pltpu.async_copy(g_hbm.at[pl.ds(r0, rows_per_tile)],
                                gtab.at[pl.ds(r0, rows_per_tile)], sem0)
        cp_z = pltpu.async_copy(zeros_hbm.at[pl.ds(r0, rows_per_tile)],
                                acc.at[pl.ds(r0, rows_per_tile)], sem1)
        cp_s = pltpu.async_copy(src_hbm.at[wid], srcv, sem2)
        cp_d = pltpu.async_copy(dst_hbm.at[wid], dstv, sem3)
        cp_g.wait()
        cp_z.wait()
        cp_s.wait()
        cp_d.wait()
        plsc.subcore_barrier()

        def body(i, carry):
            j0 = 2 * i
            j1 = j0 + 1
            pltpu.async_copy(gtab.at[srcv.at[j0]], rows0, sem0).wait()
            cp1 = pltpu.async_copy(gtab.at[srcv.at[j1]], rows1, sem1)
            pltpu.sync_copy(rows0, acc.at[dstv.at[j0]], add=True)
            cp1.wait()
            pltpu.sync_copy(rows1, acc.at[dstv.at[j1]], add=True)
            return carry

        lax.fori_loop(0, nchunk // 2, body, 0)
        if nchunk % 2:
            j = nchunk - 1
            pltpu.async_copy(gtab.at[srcv.at[j]], rows0, sem0).wait()
            pltpu.sync_copy(rows0, acc.at[dstv.at[j]], add=True)
        plsc.subcore_barrier()
        pltpu.sync_copy(acc.at[pl.ds(r0, rows_per_tile)],
                        out_hbm.at[c, pl.ds(r0, rows_per_tile)])

    return scatter_kernel


def _tc_first(degp, x, w1, br):
    n, f = x.shape
    h = w1.shape[1]
    grid = n // br

    def body(deg_ref, x_ref, w_ref, dis_ref, g_ref):
        a = deg_ref[...]
        deg = a[0, :, 0:1] + a[1, :, 0:1] + 1.0
        dis = lax.rsqrt(deg)
        m = jnp.dot(x_ref[...], w_ref[...], preferred_element_type=jnp.float32)
        g_ref[...] = dis * m
        dis_ref[...] = jnp.broadcast_to(dis, (br, h))

    return pl.pallas_call(
        body,
        grid=(grid,),
        in_specs=[
            pl.BlockSpec((NC, br, DEGW), lambda i: (0, i, 0)),
            pl.BlockSpec((br, f), lambda i: (i, 0)),
            pl.BlockSpec((f, h), lambda i: (0, 0)),
        ],
        out_specs=[
            pl.BlockSpec((br, h), lambda i: (i, 0)),
            pl.BlockSpec((br, h), lambda i: (i, 0)),
        ],
        out_shape=[
            jax.ShapeDtypeStruct((n, h), jnp.float32),
            jax.ShapeDtypeStruct((n, h), jnp.float32),
        ],
    )(degp, x, w1)


def _tc_combine(agg, g, dis64, b, w_next, br):
    n, h = g.shape
    h2 = w_next.shape[1]
    grid = n // br

    def body(agg_ref, g_ref, dis_ref, b_ref, w_ref, out_ref):
        a = agg_ref[...]
        dis = dis_ref[...]
        hcur = jax.nn.relu(dis * (a[0] + a[1] + g_ref[...]) + b_ref[...])
        out_ref[...] = dis[:, :h2] * jnp.dot(
            hcur, w_ref[...], preferred_element_type=jnp.float32)

    return pl.pallas_call(
        body,
        grid=(grid,),
        in_specs=[
            pl.BlockSpec((NC, br, h), lambda i: (0, i, 0)),
            pl.BlockSpec((br, h), lambda i: (i, 0)),
            pl.BlockSpec((br, h), lambda i: (i, 0)),
            pl.BlockSpec((1, h), lambda i: (0, 0)),
            pl.BlockSpec((h, h2), lambda i: (0, 0)),
        ],
        out_specs=pl.BlockSpec((br, h2), lambda i: (i, 0)),
        out_shape=jax.ShapeDtypeStruct((n, h2), jnp.float32),
    )(agg, g, dis64, b, w_next)


def _tc_final(agg, g, dis64, b, wfc, bfc, br):
    n, h = g.shape
    grid = n // br

    def body(agg_ref, g_ref, dis_ref, b_ref, wfc_ref, bfc_ref, out_ref, acc_ref):
        i = pl.program_id(0)
        a = agg_ref[...]
        blk = dis_ref[...] * (a[0] + a[1] + g_ref[...]) + b_ref[...]
        s = jnp.sum(blk, axis=0, keepdims=True)

        @pl.when(i == 0)
        def _():
            acc_ref[...] = s

        @pl.when(i > 0)
        def _():
            acc_ref[...] += s

        @pl.when(i == grid - 1)
        def _():
            pooled = acc_ref[...] * (1.0 / n)
            out_ref[...] = jnp.dot(
                pooled, wfc_ref[...], preferred_element_type=jnp.float32
            ) + bfc_ref[...]

    return pl.pallas_call(
        body,
        grid=(grid,),
        in_specs=[
            pl.BlockSpec((NC, br, h), lambda i: (0, i, 0)),
            pl.BlockSpec((br, h), lambda i: (i, 0)),
            pl.BlockSpec((br, h), lambda i: (i, 0)),
            pl.BlockSpec((1, h), lambda i: (0, 0)),
            pl.BlockSpec((h, 1), lambda i: (0, 0)),
            pl.BlockSpec((1, 1), lambda i: (0, 0)),
        ],
        out_specs=pl.BlockSpec((1, 1), lambda i: (0, 0)),
        out_shape=jax.ShapeDtypeStruct((1, 1), jnp.float32),
        scratch_shapes=[pltpu.VMEM((1, h), jnp.float32)],
    )(agg, g, dis64, b, wfc, bfc)


def kernel(x, edge_index, W1, b1, W2, b2, W3, b3, Wfc, bfc):
    n, f = x.shape
    h = W1.shape[1]
    e = edge_index.shape[1]

    npad = ((n + NS * CB - 1) // (NS * CB)) * (NS * CB)
    epw = ((e + NW * CB - 1) // (NW * CB)) * CB
    epad = epw * NW
    nchunk = epw // CB
    pad_row = n + 8

    src = edge_index[0]
    dst = edge_index[1]
    pad = epad - e
    src_p = jnp.concatenate(
        [src, jnp.zeros((pad,), jnp.int32)]).reshape(NW, nchunk, CB)
    dst_p = jnp.concatenate(
        [dst, jnp.full((pad,), pad_row, jnp.int32)]).reshape(NW, nchunk, CB)

    ones_deg = jnp.ones((CB, DEGW), jnp.float32)
    zeros_deg = jnp.zeros((npad, DEGW), jnp.float32)
    zeros_agg = jnp.zeros((npad, h), jnp.float32)

    br = 1000

    degp = _sc_degree_fn(npad, nchunk)(dst_p, ones_deg, zeros_deg)
    dis64, g = _tc_first(degp, x, W1, br)

    scat = _sc_scatter_fn(n, h, npad, nchunk)
    gpad = ((0, npad - n), (0, 0))
    agg = scat(jnp.pad(g, gpad), src_p, dst_p, zeros_agg)
    g = _tc_combine(agg, g, dis64, b1.reshape(1, h), W2, br)
    agg = scat(jnp.pad(g, gpad), src_p, dst_p, zeros_agg)
    g = _tc_combine(agg, g, dis64, b2.reshape(1, h), W3, br)
    agg = scat(jnp.pad(g, gpad), src_p, dst_p, zeros_agg)
    return _tc_final(agg, g, dis64, b3.reshape(1, h), Wfc,
                     bfc.reshape(1, 1), br)

# --- scband reference (transcript-rebuilt; emitter-appended) ---
"""Pipeline reference for scband-graph-neural-network-23545010717206 (READ-ONLY COPY).

The authoritative reference and input builder live on the scoring server;
editing this copy changes nothing except your own understanding.
"""

import jax, jax.numpy as jnp
import numpy as np

N = 10000
E = 320000
F_IN = 128
H = 64
OUT = 1


def setup_inputs(seed: int = 0) -> dict:
    key = jax.random.key(seed)
    ks = jax.random.split(key, 10)
    x = jax.random.normal(ks[0], (N, F_IN), dtype=jnp.float32)
    edge_index = jax.random.randint(ks[1], (2, E), 0, N, dtype=jnp.int32)
    def glorot(k, fan_in, fan_out):
        s = jnp.sqrt(6.0 / (fan_in + fan_out))
        return jax.random.uniform(k, (fan_in, fan_out), dtype=jnp.float32, minval=-s, maxval=s)
    W1 = glorot(ks[2], F_IN, H)
    b1 = jnp.zeros((H,), dtype=jnp.float32)
    W2 = glorot(ks[3], H, H)
    b2 = jnp.zeros((H,), dtype=jnp.float32)
    W3 = glorot(ks[4], H, H)
    b3 = jnp.zeros((H,), dtype=jnp.float32)
    Wfc = glorot(ks[5], H, OUT)
    bfc = jnp.zeros((OUT,), dtype=jnp.float32)
    return {"x": x, "edge_index": edge_index, "W1": W1, "b1": b1, "W2": W2, "b2": b2, "W3": W3, "b3": b3, "Wfc": Wfc, "bfc": bfc}


def _gcn_conv(x, edge_index, W, b):
    # Faithful GCNConv: linear transform, add self-loops, symmetric normalization, scatter-add aggregate, bias.
    n = x.shape[0]
    src = edge_index[0]
    dst = edge_index[1]
    loop = jnp.arange(n, dtype=src.dtype)
    s = jnp.concatenate([src, loop])
    d = jnp.concatenate([dst, loop])
    deg = jnp.zeros((n,), dtype=x.dtype).at[d].add(1.0)
    deg_inv_sqrt = jnp.where(deg > 0, jax.lax.rsqrt(jnp.maximum(deg, 1e-12)), 0.0)
    norm = deg_inv_sqrt[s] * deg_inv_sqrt[d]
    h = x @ W
    msg = h[s] * norm[:, None]
    out = jnp.zeros((n, W.shape[1]), dtype=x.dtype).at[d].add(msg)
    return out + b


def reference(x, edge_index, W1, b1, W2, b2, W3, b3, Wfc, bfc):
    # layer 1 (relu; dropout is identity in eval mode)
    h = _gcn_conv(x, edge_index, W1, b1)
    h = jax.nn.relu(h)
    # layer 2
    h = _gcn_conv(h, edge_index, W2, b2)
    h = jax.nn.relu(h)
    # layer 3 (no activation)
    h = _gcn_conv(h, edge_index, W3, b3)
    # batch is None -> mean over all nodes
    pooled = jnp.mean(h, axis=0, keepdims=True)
    out = pooled @ Wfc + bfc
    return out

if __name__ == "__main__":
    import jax
    _d = setup_inputs()
    print(jax.jit(kernel)(*tuple(_d.values())))

</pallas_src>

<mosaic_0001>
#map = affine_map<(d0, d1) -> (0, 0)>
#map1 = affine_map<(d0, d1) -> (0, 0, 0)>
module attributes {stable_mosaic.version = 14 : i64} {
  func.func @scatter_kernel(%arg0: i32, %arg1: i32, %arg2: memref<10240x64xf32, #tpu.memory_space<hbm>>, %arg3: memref<32x79x128xi32, #tpu.memory_space<hbm>>, %arg4: memref<32x79x128xi32, #tpu.memory_space<hbm>>, %arg5: memref<10240x64xf32, #tpu.memory_space<hbm>>, %arg6: memref<2x10240x64xf32, #tpu.memory_space<hbm>>, %arg7: memref<79x128xi32, #tpu.memory_space<vmem>>, %arg8: memref<79x128xi32, #tpu.memory_space<vmem>>, %arg9: memref<128x64xf32, #tpu.memory_space<vmem>>, %arg10: memref<128x64xf32, #tpu.memory_space<vmem>>, %arg11: memref<10240x64xf32, #tpu.memory_space<vmem_shared>>, %arg12: memref<10240x64xf32, #tpu.memory_space<vmem_shared>>, %arg13: memref<!tpu.dma_semaphore, #tpu.memory_space<semaphore_mem>>, %arg14: memref<!tpu.dma_semaphore, #tpu.memory_space<semaphore_mem>>, %arg15: memref<!tpu.dma_semaphore, #tpu.memory_space<semaphore_mem>>, %arg16: memref<!tpu.dma_semaphore, #tpu.memory_space<semaphore_mem>>) attributes {dimension_semantics = [#tpu.dimension_semantics<core_parallel>, #tpu.dimension_semantics<subcore_parallel>], iteration_bounds = array<i64: 2, 16>, scalar_prefetch = 0 : i64, scratch_operands = 10 : i64, tpu.core_type = #tpu.core_type<sc_vector_subcore>, window_params = [{transform_indices = #map}, {transform_indices = #map1}, {transform_indices = #map1}, {transform_indices = #map}, {transform_indices = #map1}]} {
    %mul3A = arith.constant 2 : i32
    %mul3A_0 = arith.muli %arg1, %mul3A : i32
    %add3A = arith.addi %mul3A_0, %arg0 : i32
    %mul3A_1 = arith.constant 640 : i32
    %mul3A_2 = arith.muli %arg1, %mul3A_1 : i32
    %dma_start3A = arith.constant 0 : i32
    %dma_start3A_3 = tpu.memref_slice %arg11[%mul3A_2, %dma_start3A] : memref<10240x64xf32, #tpu.memory_space<vmem_shared>> -> memref<640x64xf32, #tpu.memory_space<vmem_shared>>
    %dma_start3A_4 = arith.constant 0 : i32
    %dma_start3A_5 = tpu.memref_slice %arg2[%mul3A_2, %dma_start3A_4] : memref<10240x64xf32, #tpu.memory_space<hbm>> -> memref<640x64xf32, #tpu.memory_space<hbm>>
    tpu.enqueue_dma source(%dma_start3A_5 : memref<640x64xf32, #tpu.memory_space<hbm>>) target(%dma_start3A_3 : memref<640x64xf32, #tpu.memory_space<vmem_shared>>) target_semaphore(%arg13 : memref<!tpu.dma_semaphore, #tpu.memory_space<semaphore_mem>>)
    %dma_start3A_6 = arith.constant 0 : i32
    %dma_start3A_7 = tpu.memref_slice %arg12[%mul3A_2, %dma_start3A_6] : memref<10240x64xf32, #tpu.memory_space<vmem_shared>> -> memref<640x64xf32, #tpu.memory_space<vmem_shared>>
    %dma_start3A_8 = arith.constant 0 : i32
    %dma_start3A_9 = tpu.memref_slice %arg5[%mul3A_2, %dma_start3A_8] : memref<10240x64xf32, #tpu.memory_space<hbm>> -> memref<640x64xf32, #tpu.memory_space<hbm>>
    tpu.enqueue_dma source(%dma_start3A_9 : memref<640x64xf32, #tpu.memory_space<hbm>>) target(%dma_start3A_7 : memref<640x64xf32, #tpu.memory_space<vmem_shared>>) target_semaphore(%arg14 : memref<!tpu.dma_semaphore, #tpu.memory_space<semaphore_mem>>)
    %dma_start3A_10 = arith.constant 0 : i32
    %dma_start3A_11 = arith.constant 0 : i32
    %dma_start3A_12 = tpu.memref_slice %arg3[%add3A, %dma_start3A_10, %dma_start3A_11] : memref<32x79x128xi32, #tpu.memory_space<hbm>> -> memref<1x79x128xi32, #tpu.memory_space<hbm>>
    %dma_start3A_13 = tpu.memref_squeeze %dma_start3A_12 : memref<1x79x128xi32, #tpu.memory_space<hbm>> -> memref<79x128xi32, #tpu.memory_space<hbm>>
    %dma_start3A_14 = arith.constant 0 : i32
    %dma_start3A_15 = arith.constant 0 : i32
    %dma_start3A_16 = tpu.memref_slice %arg3[%add3A, %dma_start3A_14, %dma_start3A_15] : memref<32x79x128xi32, #tpu.memory_space<hbm>> -> memref<1x79x128xi32, #tpu.memory_space<hbm>>
    %dma_start3A_17 = tpu.memref_squeeze %dma_start3A_16 : memref<1x79x128xi32, #tpu.memory_space<hbm>> -> memref<79x128xi32, #tpu.memory_space<hbm>>
    tpu.enqueue_dma source(%dma_start3A_17 : memref<79x128xi32, #tpu.memory_space<hbm>>) target(%arg7 : memref<79x128xi32, #tpu.memory_space<vmem>>) target_semaphore(%arg15 : memref<!tpu.dma_semaphore, #tpu.memory_space<semaphore_mem>>)
    %dma_start3A_18 = arith.constant 0 : i32
    %dma_start3A_19 = arith.constant 0 : i32
    %dma_start3A_20 = tpu.memref_slice %arg4[%add3A, %dma_start3A_18, %dma_start3A_19] : memref<32x79x128xi32, #tpu.memory_space<hbm>> -> memref<1x79x128xi32, #tpu.memory_space<hbm>>
    %dma_start3A_21 = tpu.memref_squeeze %dma_start3A_20 : memref<1x79x128xi32, #tpu.memory_space<hbm>> -> memref<79x128xi32, #tpu.memory_space<hbm>>
    %dma_start3A_22 = arith.constant 0 : i32
    %dma_start3A_23 = arith.constant 0 : i32
    %dma_start3A_24 = tpu.memref_slice %arg4[%add3A, %dma_start3A_22, %dma_start3A_23] : memref<32x79x128xi32, #tpu.memory_space<hbm>> -> memref<1x79x128xi32, #tpu.memory_space<hbm>>
    %dma_start3A_25 = tpu.memref_squeeze %dma_start3A_24 : memref<1x79x128xi32, #tpu.memory_space<hbm>> -> memref<79x128xi32, #tpu.memory_space<hbm>>
    tpu.enqueue_dma source(%dma_start3A_25 : memref<79x128xi32, #tpu.memory_space<hbm>>) target(%arg8 : memref<79x128xi32, #tpu.memory_space<vmem>>) target_semaphore(%arg16 : memref<!tpu.dma_semaphore, #tpu.memory_space<semaphore_mem>>)
    %dma_wait3A = arith.constant 0 : i32
    %dma_wait3A_26 = tpu.memref_slice %arg11[%mul3A_2, %dma_wait3A] : memref<10240x64xf32, #tpu.memory_space<vmem_shared>> -> memref<640x64xf32, #tpu.memory_space<vmem_shared>>
    %dma_wait3A_27 = arith.constant 0 : i32
    %dma_wait3A_28 = tpu.memref_slice %arg2[%mul3A_2, %dma_wait3A_27] : memref<10240x64xf32, #tpu.memory_space<hbm>> -> memref<640x64xf32, #tpu.memory_space<hbm>>
    tpu.wait_dma2 semaphore(%arg13 : memref<!tpu.dma_semaphore, #tpu.memory_space<semaphore_mem>>) src(%dma_wait3A_28 : memref<640x64xf32, #tpu.memory_space<hbm>>) dst(%dma_wait3A_26 : memref<640x64xf32, #tpu.memory_space<vmem_shared>>)
    %dma_wait3A_29 = arith.constant 0 : i32
    %dma_wait3A_30 = tpu.memref_slice %arg12[%mul3A_2, %dma_wait3A_29] : memref<10240x64xf32, #tpu.memory_space<vmem_shared>> -> memref<640x64xf32, #tpu.memory_space<vmem_shared>>
    %dma_wait3A_31 = arith.constant 0 : i32
    %dma_wait3A_32 = tpu.memref_slice %arg5[%mul3A_2, %dma_wait3A_31] : memref<10240x64xf32, #tpu.memory_space<hbm>> -> memref<640x64xf32, #tpu.memory_space<hbm>>
    tpu.wait_dma2 semaphore(%arg14 : memref<!tpu.dma_semaphore, #tpu.memory_space<semaphore_mem>>) src(%dma_wait3A_32 : memref<640x64xf32, #tpu.memory_space<hbm>>) dst(%dma_wait3A_30 : memref<640x64xf32, #tpu.memory_space<vmem_shared>>)
    %dma_wait3A_33 = arith.constant 0 : i32
    %dma_wait3A_34 = arith.constant 0 : i32
    %dma_wait3A_35 = tpu.memref_slice %arg3[%add3A, %dma_wait3A_33, %dma_wait3A_34] : memref<32x79x128xi32, #tpu.memory_space<hbm>> -> memref<1x79x128xi32, #tpu.memory_space<hbm>>
    %dma_wait3A_36 = tpu.memref_squeeze %dma_wait3A_35 : memref<1x79x128xi32, #tpu.memory_space<hbm>> -> memref<79x128xi32, #tpu.memory_space<hbm>>
    %dma_wait3A_37 = arith.constant 0 : i32
    %dma_wait3A_38 = arith.constant 0 : i32
    %dma_wait3A_39 = tpu.memref_slice %arg3[%add3A, %dma_wait3A_37, %dma_wait3A_38] : memref<32x79x128xi32, #tpu.memory_space<hbm>> -> memref<1x79x128xi32, #tpu.memory_space<hbm>>
    %dma_wait3A_40 = tpu.memref_squeeze %dma_wait3A_39 : memref<1x79x128xi32, #tpu.memory_space<hbm>> -> memref<79x128xi32, #tpu.memory_space<hbm>>
    tpu.wait_dma2 semaphore(%arg15 : memref<!tpu.dma_semaphore, #tpu.memory_space<semaphore_mem>>) src(%dma_wait3A_40 : memref<79x128xi32, #tpu.memory_space<hbm>>) dst(%arg7 : memref<79x128xi32, #tpu.memory_space<vmem>>)
    %dma_wait3A_41 = arith.constant 0 : i32
    %dma_wait3A_42 = arith.constant 0 : i32
    %dma_wait3A_43 = tpu.memref_slice %arg4[%add3A, %dma_wait3A_41, %dma_wait3A_42] : memref<32x79x128xi32, #tpu.memory_space<hbm>> -> memref<1x79x128xi32, #tpu.memory_space<hbm>>
    %dma_wait3A_44 = tpu.memref_squeeze %dma_wait3A_43 : memref<1x79x128xi32, #tpu.memory_space<hbm>> -> memref<79x128xi32, #tpu.memory_space<hbm>>
    %dma_wait3A_45 = arith.constant 0 : i32
    %dma_wait3A_46 = arith.constant 0 : i32
    %dma_wait3A_47 = tpu.memref_slice %arg4[%add3A, %dma_wait3A_45, %dma_wait3A_46] : memref<32x79x128xi32, #tpu.memory_space<hbm>> -> memref<1x79x128xi32, #tpu.memory_space<hbm>>
    %dma_wait3A_48 = tpu.memref_squeeze %dma_wait3A_47 : memref<1x79x128xi32, #tpu.memory_space<hbm>> -> memref<79x128xi32, #tpu.memory_space<hbm>>
    tpu.wait_dma2 semaphore(%arg16 : memref<!tpu.dma_semaphore, #tpu.memory_space<semaphore_mem>>) src(%dma_wait3A_48 : memref<79x128xi32, #tpu.memory_space<hbm>>) dst(%arg8 : memref<79x128xi32, #tpu.memory_space<vmem>>)
    %barrier3A = arith.constant 0 : index
    tpu.barrier barrier_id(%barrier3A)
    %scan3A = arith.constant 0 : i32
    %scan3A_49 = arith.constant 0 : i32
    %scan3A_50 = arith.constant 39 : i32
    %scan3A_51 = arith.addi %scan3A_49, %scan3A_50 : i32
    %scan3A_52 = arith.constant 1 : i32
    scf.for %scan3A_69 = %scan3A_49 to %scan3A_51 step %scan3A_52  : i32 {
      %mul3A_70 = arith.constant 2 : i32
      %mul3A_71 = arith.muli %mul3A_70, %scan3A_69 : i32
      %add3A_72 = arith.constant 1 : i32
      %add3A_73 = arith.addi %mul3A_71, %add3A_72 : i32
      %dma_start3A_74 = arith.constant 0 : i32
      %dma_start3A_75 = tpu.memref_slice %arg7[%mul3A_71, %dma_start3A_74] : memref<79x128xi32, #tpu.memory_space<vmem>> -> memref<1x128xi32, #tpu.memory_space<vmem>>
      %dma_start3A_76 = tpu.memref_squeeze %dma_start3A_75 : memref<1x128xi32, #tpu.memory_space<vmem>> -> memref<128xi32, #tpu.memory_space<vmem>>
      %dma_start3A_77 = arith.constant 0 : i32
      %dma_start3A_78 = arith.constant 0 : i32
      %dma_start3A_79 = tpu.memref_slice %arg11[%dma_start3A_77, %dma_start3A_78] : memref<10240x64xf32, #tpu.memory_space<vmem_shared>> -> memref<10240x64xf32, #tpu.memory_space<vmem_shared>>
      tpu.enqueue_indirect_dma source(%dma_start3A_79 : memref<10240x64xf32, #tpu.memory_space<vmem_shared>>) target(%arg9 : memref<128x64xf32, #tpu.memory_space<vmem>>) offsets(%dma_start3A_76 : memref<128xi32, #tpu.memory_space<vmem>>) semaphore(%arg13 : memref<!tpu.dma_semaphore, #tpu.memory_space<semaphore_mem>>)
      %dma_wait3A_80 = arith.constant 0 : i32
      %dma_wait3A_81 = tpu.memref_slice %arg7[%mul3A_71, %dma_wait3A_80] : memref<79x128xi32, #tpu.memory_space<vmem>> -> memref<1x128xi32, #tpu.memory_space<vmem>>
      %dma_wait3A_82 = tpu.memref_squeeze %dma_wait3A_81 : memref<1x128xi32, #tpu.memory_space<vmem>> -> memref<128xi32, #tpu.memory_space<vmem>>
      %dma_wait3A_83 = arith.constant 0 : i32
      %dma_wait3A_84 = arith.constant 0 : i32
      %dma_wait3A_85 = tpu.memref_slice %arg11[%dma_wait3A_83, %dma_wait3A_84] : memref<10240x64xf32, #tpu.memory_space<vmem_shared>> -> memref<10240x64xf32, #tpu.memory_space<vmem_shared>>
      tpu.wait_indirect_dma semaphore(%arg13 : memref<!tpu.dma_semaphore, #tpu.memory_space<semaphore_mem>>) src(%dma_wait3A_85 : memref<10240x64xf32, #tpu.memory_space<vmem_shared>>) dst(%arg9 : memref<128x64xf32, #tpu.memory_space<vmem>>)
      %dma_start3A_86 = arith.constant 0 : i32
      %dma_start3A_87 = tpu.memref_slice %arg7[%add3A_73, %dma_start3A_86] : memref<79x128xi32, #tpu.memory_space<vmem>> -> memref<1x128xi32, #tpu.memory_space<vmem>>
      %dma_start3A_88 = tpu.memref_squeeze %dma_start3A_87 : memref<1x128xi32, #tpu.memory_space<vmem>> -> memref<128xi32, #tpu.memory_space<vmem>>
      %dma_start3A_89 = arith.constant 0 : i32
      %dma_start3A_90 = arith.constant 0 : i32
      %dma_start3A_91 = tpu.memref_slice %arg11[%dma_start3A_89, %dma_start3A_90] : memref<10240x64xf32, #tpu.memory_space<vmem_shared>> -> memref<10240x64xf32, #tpu.memory_space<vmem_shared>>
      tpu.enqueue_indirect_dma source(%dma_start3A_91 : memref<10240x64xf32, #tpu.memory_space<vmem_shared>>) target(%arg10 : memref<128x64xf32, #tpu.memory_space<vmem>>) offsets(%dma_start3A_88 : memref<128xi32, #tpu.memory_space<vmem>>) semaphore(%arg14 : memref<!tpu.dma_semaphore, #tpu.memory_space<semaphore_mem>>)
      "tpu.region"() ({
        %run_scoped3A_98 = tpu.sem_alloc : memref<!tpu.dma_semaphore, #tpu.memory_space<semaphore_mem>>
        %dma_start3A_99 = arith.constant 0 : i32
        %dma_start3A_100 = tpu.memref_slice %arg8[%mul3A_71, %dma_start3A_99] : memref<79x128xi32, #tpu.memory_space<vmem>> -> memref<1x128xi32, #tpu.memory_space<vmem>>
        %dma_start3A_101 = tpu.memref_squeeze %dma_start3A_100 : memref<1x128xi32, #tpu.memory_space<vmem>> -> memref<128xi32, #tpu.memory_space<vmem>>
        %dma_start3A_102 = arith.constant 0 : i32
        %dma_start3A_103 = arith.constant 0 : i32
        %dma_start3A_104 = tpu.memref_slice %arg12[%dma_start3A_102, %dma_start3A_103] : memref<10240x64xf32, #tpu.memory_space<vmem_shared>> -> memref<10240x64xf32, #tpu.memory_space<vmem_shared>>
        tpu.enqueue_indirect_dma source(%arg9 : memref<128x64xf32, #tpu.memory_space<vmem>>) target(%dma_start3A_104 : memref<10240x64xf32, #tpu.memory_space<vmem_shared>>) offsets(%dma_start3A_101 : memref<128xi32, #tpu.memory_space<vmem>>) semaphore(%run_scoped3A_98 : memref<!tpu.dma_semaphore, #tpu.memory_space<semaphore_mem>>) {add = true}
        %dma_wait3A_105 = arith.constant 0 : i32
        %dma_wait3A_106 = tpu.memref_slice %arg8[%mul3A_71, %dma_wait3A_105] : memref<79x128xi32, #tpu.memory_space<vmem>> -> memref<1x128xi32, #tpu.memory_space<vmem>>
        %dma_wait3A_107 = tpu.memref_squeeze %dma_wait3A_106 : memref<1x128xi32, #tpu.memory_space<vmem>> -> memref<128xi32, #tpu.memory_space<vmem>>
        %dma_wait3A_108 = arith.constant 0 : i32
        %dma_wait3A_109 = arith.constant 0 : i32
        %dma_wait3A_110 = tpu.memref_slice %arg12[%dma_wait3A_108, %dma_wait3A_109] : memref<10240x64xf32, #tpu.memory_space<vmem_shared>> -> memref<10240x64xf32, #tpu.memory_space<vmem_shared>>
        tpu.wait_indirect_dma semaphore(%run_scoped3A_98 : memref<!tpu.dma_semaphore, #tpu.memory_space<semaphore_mem>>) src(%arg9 : memref<128x64xf32, #tpu.memory_space<vmem>>) dst(%dma_wait3A_110 : memref<10240x64xf32, #tpu.memory_space<vmem_shared>>)
        tpu.yield
      }) : () -> ()
      %dma_wait3A_92 = arith.constant 0 : i32
      %dma_wait3A_93 = tpu.memref_slice %arg7[%add3A_73, %dma_wait3A_92] : memref<79x128xi32, #tpu.memory_space<vmem>> -> memref<1x128xi32, #tpu.memory_space<vmem>>
      %dma_wait3A_94 = tpu.memref_squeeze %dma_wait3A_93 : memref<1x128xi32, #tpu.memory_space<vmem>> -> memref<128xi32, #tpu.memory_space<vmem>>
      %dma_wait3A_95 = arith.constant 0 : i32
      %dma_wait3A_96 = arith.constant 0 : i32
      %dma_wait3A_97 = tpu.memref_slice %arg11[%dma_wait3A_95, %dma_wait3A_96] : memref<10240x64xf32, #tpu.memory_space<vmem_shared>> -> memref<10240x64xf32, #tpu.memory_space<vmem_shared>>
      tpu.wait_indirect_dma semaphore(%arg14 : memref<!tpu.dma_semaphore, #tpu.memory_space<semaphore_mem>>) src(%dma_wait3A_97 : memref<10240x64xf32, #tpu.memory_space<vmem_shared>>) dst(%arg10 : memref<128x64xf32, #tpu.memory_space<vmem>>)
      "tpu.region"() ({
        %run_scoped3A_98 = tpu.sem_alloc : memref<!tpu.dma_semaphore, #tpu.memory_space<semaphore_mem>>
        %dma_start3A_99 = arith.constant 0 : i32
        %dma_start3A_100 = tpu.memref_slice %arg8[%add3A_73, %dma_start3A_99] : memref<79x128xi32, #tpu.memory_space<vmem>> -> memref<1x128xi32, #tpu.memory_space<vmem>>
        %dma_start3A_101 = tpu.memref_squeeze %dma_start3A_100 : memref<1x128xi32, #tpu.memory_space<vmem>> -> memref<128xi32, #tpu.memory_space<vmem>>
        %dma_start3A_102 = arith.constant 0 : i32
        %dma_start3A_103 = arith.constant 0 : i32
        %dma_start3A_104 = tpu.memref_slice %arg12[%dma_start3A_102, %dma_start3A_103] : memref<10240x64xf32, #tpu.memory_space<vmem_shared>> -> memref<10240x64xf32, #tpu.memory_space<vmem_shared>>
        tpu.enqueue_indirect_dma source(%arg10 : memref<128x64xf32, #tpu.memory_space<vmem>>) target(%dma_start3A_104 : memref<10240x64xf32, #tpu.memory_space<vmem_shared>>) offsets(%dma_start3A_101 : memref<128xi32, #tpu.memory_space<vmem>>) semaphore(%run_scoped3A_98 : memref<!tpu.dma_semaphore, #tpu.memory_space<semaphore_mem>>) {add = true}
        %dma_wait3A_105 = arith.constant 0 : i32
        %dma_wait3A_106 = tpu.memref_slice %arg8[%add3A_73, %dma_wait3A_105] : memref<79x128xi32, #tpu.memory_space<vmem>> -> memref<1x128xi32, #tpu.memory_space<vmem>>
        %dma_wait3A_107 = tpu.memref_squeeze %dma_wait3A_106 : memref<1x128xi32, #tpu.memory_space<vmem>> -> memref<128xi32, #tpu.memory_space<vmem>>
        %dma_wait3A_108 = arith.constant 0 : i32
        %dma_wait3A_109 = arith.constant 0 : i32
        %dma_wait3A_110 = tpu.memref_slice %arg12[%dma_wait3A_108, %dma_wait3A_109] : memref<10240x64xf32, #tpu.memory_space<vmem_shared>> -> memref<10240x64xf32, #tpu.memory_space<vmem_shared>>
        tpu.wait_indirect_dma semaphore(%run_scoped3A_98 : memref<!tpu.dma_semaphore, #tpu.memory_space<semaphore_mem>>) src(%arg10 : memref<128x64xf32, #tpu.memory_space<vmem>>) dst(%dma_wait3A_110 : memref<10240x64xf32, #tpu.memory_space<vmem_shared>>)
        tpu.yield
      }) : () -> ()
    }
    %scan3A_53 = arith.constant 39 : i32
    %dma_start3A_54 = arith.constant 78 : i32
    %dma_start3A_55 = arith.constant 0 : i32
    %dma_start3A_56 = tpu.memref_slice %arg7[%dma_start3A_54, %dma_start3A_55] : memref<79x128xi32, #tpu.memory_space<vmem>> -> memref<1x128xi32, #tpu.memory_space<vmem>>
    %dma_start3A_57 = tpu.memref_squeeze %dma_start3A_56 : memref<1x128xi32, #tpu.memory_space<vmem>> -> memref<128xi32, #tpu.memory_space<vmem>>
    %dma_start3A_58 = arith.constant 0 : i32
    %dma_start3A_59 = arith.constant 0 : i32
    %dma_start3A_60 = tpu.memref_slice %arg11[%dma_start3A_58, %dma_start3A_59] : memref<10240x64xf32, #tpu.memory_space<vmem_shared>> -> memref<10240x64xf32, #tpu.memory_space<vmem_shared>>
    tpu.enqueue_indirect_dma source(%dma_start3A_60 : memref<10240x64xf32, #tpu.memory_space<vmem_shared>>) target(%arg9 : memref<128x64xf32, #tpu.memory_space<vmem>>) offsets(%dma_start3A_57 : memref<128xi32, #tpu.memory_space<vmem>>) semaphore(%arg13 : memref<!tpu.dma_semaphore, #tpu.memory_space<semaphore_mem>>)
    %dma_wait3A_61 = arith.constant 78 : i32
    %dma_wait3A_62 = arith.constant 0 : i32
    %dma_wait3A_63 = tpu.memref_slice %arg7[%dma_wait3A_61, %dma_wait3A_62] : memref<79x128xi32, #tpu.memory_space<vmem>> -> memref<1x128xi32, #tpu.memory_space<vmem>>
    %dma_wait3A_64 = tpu.memref_squeeze %dma_wait3A_63 : memref<1x128xi32, #tpu.memory_space<vmem>> -> memref<128xi32, #tpu.memory_space<vmem>>
    %dma_wait3A_65 = arith.constant 0 : i32
    %dma_wait3A_66 = arith.constant 0 : i32
    %dma_wait3A_67 = tpu.memref_slice %arg11[%dma_wait3A_65, %dma_wait3A_66] : memref<10240x64xf32, #tpu.memory_space<vmem_shared>> -> memref<10240x64xf32, #tpu.memory_space<vmem_shared>>
    tpu.wait_indirect_dma semaphore(%arg13 : memref<!tpu.dma_semaphore, #tpu.memory_space<semaphore_mem>>) src(%dma_wait3A_67 : memref<10240x64xf32, #tpu.memory_space<vmem_shared>>) dst(%arg9 : memref<128x64xf32, #tpu.memory_space<vmem>>)
    %run_scoped3A = arith.constant 78 : i32
    "tpu.region"() ({
      %run_scoped3A_69 = tpu.sem_alloc : memref<!tpu.dma_semaphore, #tpu.memory_space<semaphore_mem>>
      %dma_start3A_70 = arith.constant 0 : i32
      %dma_start3A_71 = tpu.memref_slice %arg8[%run_scoped3A, %dma_start3A_70] : memref<79x128xi32, #tpu.memory_space<vmem>> -> memref<1x128xi32, #tpu.memory_space<vmem>>
      %dma_start3A_72 = tpu.memref_squeeze %dma_start3A_71 : memref<1x128xi32, #tpu.memory_space<vmem>> -> memref<128xi32, #tpu.memory_space<vmem>>
      %dma_start3A_73 = arith.constant 0 : i32
      %dma_start3A_74 = arith.constant 0 : i32
      %dma_start3A_75 = tpu.memref_slice %arg12[%dma_start3A_73, %dma_start3A_74] : memref<10240x64xf32, #tpu.memory_space<vmem_shared>> -> memref<10240x64xf32, #tpu.memory_space<vmem_shared>>
      tpu.enqueue_indirect_dma source(%arg9 : memref<128x64xf32, #tpu.memory_space<vmem>>) target(%dma_start3A_75 : memref<10240x64xf32, #tpu.memory_space<vmem_shared>>) offsets(%dma_start3A_72 : memref<128xi32, #tpu.memory_space<vmem>>) semaphore(%run_scoped3A_69 : memref<!tpu.dma_semaphore, #tpu.memory_space<semaphore_mem>>) {add = true}
      %dma_wait3A_76 = arith.constant 0 : i32
      %dma_wait3A_77 = tpu.memref_slice %arg8[%run_scoped3A, %dma_wait3A_76] : memref<79x128xi32, #tpu.memory_space<vmem>> -> memref<1x128xi32, #tpu.memory_space<vmem>>
      %dma_wait3A_78 = tpu.memref_squeeze %dma_wait3A_77 : memref<1x128xi32, #tpu.memory_space<vmem>> -> memref<128xi32, #tpu.memory_space<vmem>>
      %dma_wait3A_79 = arith.constant 0 : i32
      %dma_wait3A_80 = arith.constant 0 : i32
      %dma_wait3A_81 = tpu.memref_slice %arg12[%dma_wait3A_79, %dma_wait3A_80] : memref<10240x64xf32, #tpu.memory_space<vmem_shared>> -> memref<10240x64xf32, #tpu.memory_space<vmem_shared>>
      tpu.wait_indirect_dma semaphore(%run_scoped3A_69 : memref<!tpu.dma_semaphore, #tpu.memory_space<semaphore_mem>>) src(%arg9 : memref<128x64xf32, #tpu.memory_space<vmem>>) dst(%dma_wait3A_81 : memref<10240x64xf32, #tpu.memory_space<vmem_shared>>)
      tpu.yield
    }) : () -> ()
    %barrier3A_68 = arith.constant 0 : index
    tpu.barrier barrier_id(%barrier3A_68)
    "tpu.region"() ({
      %run_scoped3A_69 = tpu.sem_alloc : memref<!tpu.dma_semaphore, #tpu.memory_space<semaphore_mem>>
      %dma_start3A_70 = arith.constant 0 : i32
      %dma_start3A_71 = tpu.memref_slice %arg6[%arg0, %mul3A_2, %dma_start3A_70] : memref<2x10240x64xf32, #tpu.memory_space<hbm>> -> memref<1x640x64xf32, #tpu.memory_space<hbm>>
      %dma_start3A_72 = tpu.memref_squeeze %dma_start3A_71 : memref<1x640x64xf32, #tpu.memory_space<hbm>> -> memref<640x64xf32, #tpu.memory_space<hbm>>
      %dma_start3A_73 = arith.constant 0 : i32
      %dma_start3A_74 = tpu.memref_slice %arg12[%mul3A_2, %dma_start3A_73] : memref<10240x64xf32, #tpu.memory_space<vmem_shared>> -> memref<640x64xf32, #tpu.memory_space<vmem_shared>>
      tpu.enqueue_dma source(%dma_start3A_74 : memref<640x64xf32, #tpu.memory_space<vmem_shared>>) target(%dma_start3A_72 : memref<640x64xf32, #tpu.memory_space<hbm>>) target_semaphore(%run_scoped3A_69 : memref<!tpu.dma_semaphore, #tpu.memory_space<semaphore_mem>>)
      %dma_wait3A_75 = arith.constant 0 : i32
      %dma_wait3A_76 = tpu.memref_slice %arg6[%arg0, %mul3A_2, %dma_wait3A_75] : memref<2x10240x64xf32, #tpu.memory_space<hbm>> -> memref<1x640x64xf32, #tpu.memory_space<hbm>>
      %dma_wait3A_77 = tpu.memref_squeeze %dma_wait3A_76 : memref<1x640x64xf32, #tpu.memory_space<hbm>> -> memref<640x64xf32, #tpu.memory_space<hbm>>
      %dma_wait3A_78 = arith.constant 0 : i32
      %dma_wait3A_79 = tpu.memref_slice %arg12[%mul3A_2, %dma_wait3A_78] : memref<10240x64xf32, #tpu.memory_space<vmem_shared>> -> memref<640x64xf32, #tpu.memory_space<vmem_shared>>
      tpu.wait_dma2 semaphore(%run_scoped3A_69 : memref<!tpu.dma_semaphore, #tpu.memory_space<semaphore_mem>>) src(%dma_wait3A_79 : memref<640x64xf32, #tpu.memory_space<vmem_shared>>) dst(%dma_wait3A_77 : memref<640x64xf32, #tpu.memory_space<hbm>>)
      tpu.yield
    }) : () -> ()
    return
  }
}

#map = affine_map<(d0, d1) -> (0, 0, 0)>
#map1 = affine_map<(d0, d1) -> (0, 0)>
module attributes {stable_mosaic.version = 14 : i64} {
  func.func @deg_kernel(%arg0: i32, %arg1: i32, %arg2: memref<32x79x128xi32, #tpu.memory_space<hbm>>, %arg3: memref<128x16xf32, #tpu.memory_space<hbm>>, %arg4: memref<10240x16xf32, #tpu.memory_space<hbm>>, %arg5: memref<2x10240x16xf32, #tpu.memory_space<hbm>>, %arg6: memref<79x128xi32, #tpu.memory_space<vmem>>, %arg7: memref<128x16xf32, #tpu.memory_space<vmem>>, %arg8: memref<10240x16xf32, #tpu.memory_space<vmem_shared>>) attributes {dimension_semantics = [#tpu.dimension_semantics<core_parallel>, #tpu.dimension_semantics<subcore_parallel>], iteration_bounds = array<i64: 2, 16>, scalar_prefetch = 0 : i64, scratch_operands = 3 : i64, tpu.core_type = #tpu.core_type<sc_vector_subcore>, window_params = [{transform_indices = #map}, {transform_indices = #map1}, {transform_indices = #map1}, {transform_indices = #map}]} {
    %mul3A = arith.constant 2 : i32
    %mul3A_0 = arith.muli %arg1, %mul3A : i32
    %add3A = arith.addi %mul3A_0, %arg0 : i32
    %mul3A_1 = arith.constant 640 : i32
    %mul3A_2 = arith.muli %arg1, %mul3A_1 : i32
    "tpu.region"() ({
      %run_scoped3A = tpu.sem_alloc : memref<!tpu.dma_semaphore, #tpu.memory_space<semaphore_mem>>
      %dma_start3A = arith.constant 0 : i32
      %dma_start3A_9 = tpu.memref_slice %arg8[%mul3A_2, %dma_start3A] : memref<10240x16xf32, #tpu.memory_space<vmem_shared>> -> memref<640x16xf32, #tpu.memory_space<vmem_shared>>
      %dma_start3A_10 = arith.constant 0 : i32
      %dma_start3A_11 = tpu.memref_slice %arg4[%mul3A_2, %dma_start3A_10] : memref<10240x16xf32, #tpu.memory_space<hbm>> -> memref<640x16xf32, #tpu.memory_space<hbm>>
      tpu.enqueue_dma source(%dma_start3A_11 : memref<640x16xf32, #tpu.memory_space<hbm>>) target(%dma_start3A_9 : memref<640x16xf32, #tpu.memory_space<vmem_shared>>) target_semaphore(%run_scoped3A : memref<!tpu.dma_semaphore, #tpu.memory_space<semaphore_mem>>)
      %dma_wait3A = arith.constant 0 : i32
      %dma_wait3A_12 = tpu.memref_slice %arg8[%mul3A_2, %dma_wait3A] : memref<10240x16xf32, #tpu.memory_space<vmem_shared>> -> memref<640x16xf32, #tpu.memory_space<vmem_shared>>
      %dma_wait3A_13 = arith.constant 0 : i32
      %dma_wait3A_14 = tpu.memref_slice %arg4[%mul3A_2, %dma_wait3A_13] : memref<10240x16xf32, #tpu.memory_space<hbm>> -> memref<640x16xf32, #tpu.memory_space<hbm>>
      tpu.wait_dma2 semaphore(%run_scoped3A : memref<!tpu.dma_semaphore, #tpu.memory_space<semaphore_mem>>) src(%dma_wait3A_14 : memref<640x16xf32, #tpu.memory_space<hbm>>) dst(%dma_wait3A_12 : memref<640x16xf32, #tpu.memory_space<vmem_shared>>)
      tpu.yield
    }) : () -> ()
    "tpu.region"() ({
      %run_scoped3A = tpu.sem_alloc : memref<!tpu.dma_semaphore, #tpu.memory_space<semaphore_mem>>
      tpu.enqueue_dma source(%arg3 : memref<128x16xf32, #tpu.memory_space<hbm>>) target(%arg7 : memref<128x16xf32, #tpu.memory_space<vmem>>) target_semaphore(%run_scoped3A : memref<!tpu.dma_semaphore, #tpu.memory_space<semaphore_mem>>)
      tpu.wait_dma2 semaphore(%run_scoped3A : memref<!tpu.dma_semaphore, #tpu.memory_space<semaphore_mem>>) src(%arg3 : memref<128x16xf32, #tpu.memory_space<hbm>>) dst(%arg7 : memref<128x16xf32, #tpu.memory_space<vmem>>)
      tpu.yield
    }) : () -> ()
    "tpu.region"() ({
      %run_scoped3A = tpu.sem_alloc : memref<!tpu.dma_semaphore, #tpu.memory_space<semaphore_mem>>
      %dma_start3A = arith.constant 0 : i32
      %dma_start3A_9 = arith.constant 0 : i32
      %dma_start3A_10 = tpu.memref_slice %arg2[%add3A, %dma_start3A, %dma_start3A_9] : memref<32x79x128xi32, #tpu.memory_space<hbm>> -> memref<1x79x128xi32, #tpu.memory_space<hbm>>
      %dma_start3A_11 = tpu.memref_squeeze %dma_start3A_10 : memref<1x79x128xi32, #tpu.memory_space<hbm>> -> memref<79x128xi32, #tpu.memory_space<hbm>>
      %dma_start3A_12 = arith.constant 0 : i32
      %dma_start3A_13 = arith.constant 0 : i32
      %dma_start3A_14 = tpu.memref_slice %arg2[%add3A, %dma_start3A_12, %dma_start3A_13] : memref<32x79x128xi32, #tpu.memory_space<hbm>> -> memref<1x79x128xi32, #tpu.memory_space<hbm>>
      %dma_start3A_15 = tpu.memref_squeeze %dma_start3A_14 : memref<1x79x128xi32, #tpu.memory_space<hbm>> -> memref<79x128xi32, #tpu.memory_space<hbm>>
      tpu.enqueue_dma source(%dma_start3A_15 : memref<79x128xi32, #tpu.memory_space<hbm>>) target(%arg6 : memref<79x128xi32, #tpu.memory_space<vmem>>) target_semaphore(%run_scoped3A : memref<!tpu.dma_semaphore, #tpu.memory_space<semaphore_mem>>)
      %dma_wait3A = arith.constant 0 : i32
      %dma_wait3A_16 = arith.constant 0 : i32
      %dma_wait3A_17 = tpu.memref_slice %arg2[%add3A, %dma_wait3A, %dma_wait3A_16] : memref<32x79x128xi32, #tpu.memory_space<hbm>> -> memref<1x79x128xi32, #tpu.memory_space<hbm>>
      %dma_wait3A_18 = tpu.memref_squeeze %dma_wait3A_17 : memref<1x79x128xi32, #tpu.memory_space<hbm>> -> memref<79x128xi32, #tpu.memory_space<hbm>>
      %dma_wait3A_19 = arith.constant 0 : i32
      %dma_wait3A_20 = arith.constant 0 : i32
      %dma_wait3A_21 = tpu.memref_slice %arg2[%add3A, %dma_wait3A_19, %dma_wait3A_20] : memref<32x79x128xi32, #tpu.memory_space<hbm>> -> memref<1x79x128xi32, #tpu.memory_space<hbm>>
      %dma_wait3A_22 = tpu.memref_squeeze %dma_wait3A_21 : memref<1x79x128xi32, #tpu.memory_space<hbm>> -> memref<79x128xi32, #tpu.memory_space<hbm>>
      tpu.wait_dma2 semaphore(%run_scoped3A : memref<!tpu.dma_semaphore, #tpu.memory_space<semaphore_mem>>) src(%dma_wait3A_22 : memref<79x128xi32, #tpu.memory_space<hbm>>) dst(%arg6 : memref<79x128xi32, #tpu.memory_space<vmem>>)
      tpu.yield
    }) : () -> ()
    %barrier3A = arith.constant 0 : index
    tpu.barrier barrier_id(%barrier3A)
    %scan3A = arith.constant 0 : i32
    %scan3A_3 = arith.constant 0 : i32
    %scan3A_4 = arith.constant 79 : i32
    %scan3A_5 = arith.addi %scan3A_3, %scan3A_4 : i32
    %scan3A_6 = arith.constant 1 : i32
    scf.for %scan3A_9 = %scan3A_3 to %scan3A_5 step %scan3A_6  : i32 {
      "tpu.region"() ({
        %run_scoped3A = tpu.sem_alloc : memref<!tpu.dma_semaphore, #tpu.memory_space<semaphore_mem>>
        %dma_start3A = arith.constant 0 : i32
        %dma_start3A_10 = tpu.memref_slice %arg6[%scan3A_9, %dma_start3A] : memref<79x128xi32, #tpu.memory_space<vmem>> -> memref<1x128xi32, #tpu.memory_space<vmem>>
        %dma_start3A_11 = tpu.memref_squeeze %dma_start3A_10 : memref<1x128xi32, #tpu.memory_space<vmem>> -> memref<128xi32, #tpu.memory_space<vmem>>
        %dma_start3A_12 = arith.constant 0 : i32
        %dma_start3A_13 = arith.constant 0 : i32
        %dma_start3A_14 = tpu.memref_slice %arg8[%dma_start3A_12, %dma_start3A_13] : memref<10240x16xf32, #tpu.memory_space<vmem_shared>> -> memref<10240x16xf32, #tpu.memory_space<vmem_shared>>
        tpu.enqueue_indirect_dma source(%arg7 : memref<128x16xf32, #tpu.memory_space<vmem>>) target(%dma_start3A_14 : memref<10240x16xf32, #tpu.memory_space<vmem_shared>>) offsets(%dma_start3A_11 : memref<128xi32, #tpu.memory_space<vmem>>) semaphore(%run_scoped3A : memref<!tpu.dma_semaphore, #tpu.memory_space<semaphore_mem>>) {add = true}
        %dma_wait3A = arith.constant 0 : i32
        %dma_wait3A_15 = tpu.memref_slice %arg6[%scan3A_9, %dma_wait3A] : memref<79x128xi32, #tpu.memory_space<vmem>> -> memref<1x128xi32, #tpu.memory_space<vmem>>
        %dma_wait3A_16 = tpu.memref_squeeze %dma_wait3A_15 : memref<1x128xi32, #tpu.memory_space<vmem>> -> memref<128xi32, #tpu.memory_space<vmem>>
        %dma_wait3A_17 = arith.constant 0 : i32
        %dma_wait3A_18 = arith.constant 0 : i32
        %dma_wait3A_19 = tpu.memref_slice %arg8[%dma_wait3A_17, %dma_wait3A_18] : memref<10240x16xf32, #tpu.memory_space<vmem_shared>> -> memref<10240x16xf32, #tpu.memory_space<vmem_shared>>
        tpu.wait_indirect_dma semaphore(%run_scoped3A : memref<!tpu.dma_semaphore, #tpu.memory_space<semaphore_mem>>) src(%arg7 : memref<128x16xf32, #tpu.memory_space<vmem>>) dst(%dma_wait3A_19 : memref<10240x16xf32, #tpu.memory_space<vmem_shared>>)
        tpu.yield
      }) : () -> ()
    }
    %scan3A_7 = arith.constant 79 : i32
    %barrier3A_8 = arith.constant 0 : index
    tpu.barrier barrier_id(%barrier3A_8)
    "tpu.region"() ({
      %run_scoped3A = tpu.sem_alloc : memref<!tpu.dma_semaphore, #tpu.memory_space<semaphore_mem>>
      %dma_start3A = arith.constant 0 : i32
      %dma_start3A_9 = tpu.memref_slice %arg5[%arg0, %mul3A_2, %dma_start3A] : memref<2x10240x16xf32, #tpu.memory_space<hbm>> -> memref<1x640x16xf32, #tpu.memory_space<hbm>>
      %dma_start3A_10 = tpu.memref_squeeze %dma_start3A_9 : memref<1x640x16xf32, #tpu.memory_space<hbm>> -> memref<640x16xf32, #tpu.memory_space<hbm>>
      %dma_start3A_11 = arith.constant 0 : i32
      %dma_start3A_12 = tpu.memref_slice %arg8[%mul3A_2, %dma_start3A_11] : memref<10240x16xf32, #tpu.memory_space<vmem_shared>> -> memref<640x16xf32, #tpu.memory_space<vmem_shared>>
      tpu.enqueue_dma source(%dma_start3A_12 : memref<640x16xf32, #tpu.memory_space<vmem_shared>>) target(%dma_start3A_10 : memref<640x16xf32, #tpu.memory_space<hbm>>) target_semaphore(%run_scoped3A : memref<!tpu.dma_semaphore, #tpu.memory_space<semaphore_mem>>)
      %dma_wait3A = arith.constant 0 : i32
      %dma_wait3A_13 = tpu.memref_slice %arg5[%arg0, %mul3A_2, %dma_wait3A] : memref<2x10240x16xf32, #tpu.memory_space<hbm>> -> memref<1x640x16xf32, #tpu.memory_space<hbm>>
      %dma_wait3A_14 = tpu.memref_squeeze %dma_wait3A_13 : memref<1x640x16xf32, #tpu.memory_space<hbm>> -> memref<640x16xf32, #tpu.memory_space<hbm>>
      %dma_wait3A_15 = arith.constant 0 : i32
      %dma_wait3A_16 = tpu.memref_slice %arg8[%mul3A_2, %dma_wait3A_15] : memref<10240x16xf32, #tpu.memory_space<vmem_shared>> -> memref<640x16xf32, #tpu.memory_space<vmem_shared>>
      tpu.wait_dma2 semaphore(%run_scoped3A : memref<!tpu.dma_semaphore, #tpu.memory_space<semaphore_mem>>) src(%dma_wait3A_16 : memref<640x16xf32, #tpu.memory_space<vmem_shared>>) dst(%dma_wait3A_14 : memref<640x16xf32, #tpu.memory_space<hbm>>)
      tpu.yield
    }) : () -> ()
    return
  }
}

#map = affine_map<(d0, d1) -> (0, 0)>
#map1 = affine_map<(d0, d1) -> (0, 0, 0)>
module attributes {stable_mosaic.version = 14 : i64} {
  func.func @scatter_kernel(%arg0: i32, %arg1: i32, %arg2: memref<10240x64xf32, #tpu.memory_space<hbm>>, %arg3: memref<32x79x128xi32, #tpu.memory_space<hbm>>, %arg4: memref<32x79x128xi32, #tpu.memory_space<hbm>>, %arg5: memref<10240x64xf32, #tpu.memory_space<hbm>>, %arg6: memref<2x10240x64xf32, #tpu.memory_space<hbm>>, %arg7: memref<79x128xi32, #tpu.memory_space<vmem>>, %arg8: memref<79x128xi32, #tpu.memory_space<vmem>>, %arg9: memref<128x64xf32, #tpu.memory_space<vmem>>, %arg10: memref<128x64xf32, #tpu.memory_space<vmem>>, %arg11: memref<10240x64xf32, #tpu.memory_space<vmem_shared>>, %arg12: memref<10240x64xf32, #tpu.memory_space<vmem_shared>>, %arg13: memref<!tpu.dma_semaphore, #tpu.memory_space<semaphore_mem>>, %arg14: memref<!tpu.dma_semaphore, #tpu.memory_space<semaphore_mem>>, %arg15: memref<!tpu.dma_semaphore, #tpu.memory_space<semaphore_mem>>, %arg16: memref<!tpu.dma_semaphore, #tpu.memory_space<semaphore_mem>>) attributes {dimension_semantics = [#tpu.dimension_semantics<core_parallel>, #tpu.dimension_semantics<subcore_parallel>], iteration_bounds = array<i64: 2, 16>, scalar_prefetch = 0 : i64, scratch_operands = 10 : i64, tpu.core_type = #tpu.core_type<sc_vector_subcore>, window_params = [{transform_indices = #map}, {transform_indices = #map1}, {transform_indices = #map1}, {transform_indices = #map}, {transform_indices = #map1}]} {
    %mul3A = arith.constant 2 : i32
    %mul3A_0 = arith.muli %arg1, %mul3A : i32
    %add3A = arith.addi %mul3A_0, %arg0 : i32
    %mul3A_1 = arith.constant 640 : i32
    %mul3A_2 = arith.muli %arg1, %mul3A_1 : i32
    %dma_start3A = arith.constant 0 : i32
    %dma_start3A_3 = tpu.memref_slice %arg11[%mul3A_2, %dma_start3A] : memref<10240x64xf32, #tpu.memory_space<vmem_shared>> -> memref<640x64xf32, #tpu.memory_space<vmem_shared>>
    %dma_start3A_4 = arith.constant 0 : i32
    %dma_start3A_5 = tpu.memref_slice %arg2[%mul3A_2, %dma_start3A_4] : memref<10240x64xf32, #tpu.memory_space<hbm>> -> memref<640x64xf32, #tpu.memory_space<hbm>>
    tpu.enqueue_dma source(%dma_start3A_5 : memref<640x64xf32, #tpu.memory_space<hbm>>) target(%dma_start3A_3 : memref<640x64xf32, #tpu.memory_space<vmem_shared>>) target_semaphore(%arg13 : memref<!tpu.dma_semaphore, #tpu.memory_space<semaphore_mem>>)
    %dma_start3A_6 = arith.constant 0 : i32
    %dma_start3A_7 = tpu.memref_slice %arg12[%mul3A_2, %dma_start3A_6] : memref<10240x64xf32, #tpu.memory_space<vmem_shared>> -> memref<640x64xf32, #tpu.memory_space<vmem_shared>>
    %dma_start3A_8 = arith.constant 0 : i32
    %dma_start3A_9 = tpu.memref_slice %arg5[%mul3A_2, %dma_start3A_8] : memref<10240x64xf32, #tpu.memory_space<hbm>> -> memref<640x64xf32, #tpu.memory_space<hbm>>
    tpu.enqueue_dma source(%dma_start3A_9 : memref<640x64xf32, #tpu.memory_space<hbm>>) target(%dma_start3A_7 : memref<640x64xf32, #tpu.memory_space<vmem_shared>>) target_semaphore(%arg14 : memref<!tpu.dma_semaphore, #tpu.memory_space<semaphore_mem>>)
    %dma_start3A_10 = arith.constant 0 : i32
    %dma_start3A_11 = arith.constant 0 : i32
    %dma_start3A_12 = tpu.memref_slice %arg3[%add3A, %dma_start3A_10, %dma_start3A_11] : memref<32x79x128xi32, #tpu.memory_space<hbm>> -> memref<1x79x128xi32, #tpu.memory_space<hbm>>
    %dma_start3A_13 = tpu.memref_squeeze %dma_start3A_12 : memref<1x79x128xi32, #tpu.memory_space<hbm>> -> memref<79x128xi32, #tpu.memory_space<hbm>>
    %dma_start3A_14 = arith.constant 0 : i32
    %dma_start3A_15 = arith.constant 0 : i32
    %dma_start3A_16 = tpu.memref_slice %arg3[%add3A, %dma_start3A_14, %dma_start3A_15] : memref<32x79x128xi32, #tpu.memory_space<hbm>> -> memref<1x79x128xi32, #tpu.memory_space<hbm>>
    %dma_start3A_17 = tpu.memref_squeeze %dma_start3A_16 : memref<1x79x128xi32, #tpu.memory_space<hbm>> -> memref<79x128xi32, #tpu.memory_space<hbm>>
    tpu.enqueue_dma source(%dma_start3A_17 : memref<79x128xi32, #tpu.memory_space<hbm>>) target(%arg7 : memref<79x128xi32, #tpu.memory_space<vmem>>) target_semaphore(%arg15 : memref<!tpu.dma_semaphore, #tpu.memory_space<semaphore_mem>>)
    %dma_start3A_18 = arith.constant 0 : i32
    %dma_start3A_19 = arith.constant 0 : i32
    %dma_start3A_20 = tpu.memref_slice %arg4[%add3A, %dma_start3A_18, %dma_start3A_19] : memref<32x79x128xi32, #tpu.memory_space<hbm>> -> memref<1x79x128xi32, #tpu.memory_space<hbm>>
    %dma_start3A_21 = tpu.memref_squeeze %dma_start3A_20 : memref<1x79x128xi32, #tpu.memory_space<hbm>> -> memref<79x128xi32, #tpu.memory_space<hbm>>
    %dma_start3A_22 = arith.constant 0 : i32
    %dma_start3A_23 = arith.constant 0 : i32
    %dma_start3A_24 = tpu.memref_slice %arg4[%add3A, %dma_start3A_22, %dma_start3A_23] : memref<32x79x128xi32, #tpu.memory_space<hbm>> -> memref<1x79x128xi32, #tpu.memory_space<hbm>>
    %dma_start3A_25 = tpu.memref_squeeze %dma_start3A_24 : memref<1x79x128xi32, #tpu.memory_space<hbm>> -> memref<79x128xi32, #tpu.memory_space<hbm>>
    tpu.enqueue_dma source(%dma_start3A_25 : memref<79x128xi32, #tpu.memory_space<hbm>>) target(%arg8 : memref<79x128xi32, #tpu.memory_space<vmem>>) target_semaphore(%arg16 : memref<!tpu.dma_semaphore, #tpu.memory_space<semaphore_mem>>)
    %dma_wait3A = arith.constant 0 : i32
    %dma_wait3A_26 = tpu.memref_slice %arg11[%mul3A_2, %dma_wait3A] : memref<10240x64xf32, #tpu.memory_space<vmem_shared>> -> memref<640x64xf32, #tpu.memory_space<vmem_shared>>
    %dma_wait3A_27 = arith.constant 0 : i32
    %dma_wait3A_28 = tpu.memref_slice %arg2[%mul3A_2, %dma_wait3A_27] : memref<10240x64xf32, #tpu.memory_space<hbm>> -> memref<640x64xf32, #tpu.memory_space<hbm>>
    tpu.wait_dma2 semaphore(%arg13 : memref<!tpu.dma_semaphore, #tpu.memory_space<semaphore_mem>>) src(%dma_wait3A_28 : memref<640x64xf32, #tpu.memory_space<hbm>>) dst(%dma_wait3A_26 : memref<640x64xf32, #tpu.memory_space<vmem_shared>>)
    %dma_wait3A_29 = arith.constant 0 : i32
    %dma_wait3A_30 = tpu.memref_slice %arg12[%mul3A_2, %dma_wait3A_29] : memref<10240x64xf32, #tpu.memory_space<vmem_shared>> -> memref<640x64xf32, #tpu.memory_space<vmem_shared>>
    %dma_wait3A_31 = arith.constant 0 : i32
    %dma_wait3A_32 = tpu.memref_slice %arg5[%mul3A_2, %dma_wait3A_31] : memref<10240x64xf32, #tpu.memory_space<hbm>> -> memref<640x64xf32, #tpu.memory_space<hbm>>
    tpu.wait_dma2 semaphore(%arg14 : memref<!tpu.dma_semaphore, #tpu.memory_space<semaphore_mem>>) src(%dma_wait3A_32 : memref<640x64xf32, #tpu.memory_space<hbm>>) dst(%dma_wait3A_30 : memref<640x64xf32, #tpu.memory_space<vmem_shared>>)
    %dma_wait3A_33 = arith.constant 0 : i32
    %dma_wait3A_34 = arith.constant 0 : i32
    %dma_wait3A_35 = tpu.memref_slice %arg3[%add3A, %dma_wait3A_33, %dma_wait3A_34] : memref<32x79x128xi32, #tpu.memory_space<hbm>> -> memref<1x79x128xi32, #tpu.memory_space<hbm>>
    %dma_wait3A_36 = tpu.memref_squeeze %dma_wait3A_35 : memref<1x79x128xi32, #tpu.memory_space<hbm>> -> memref<79x128xi32, #tpu.memory_space<hbm>>
    %dma_wait3A_37 = arith.constant 0 : i32
    %dma_wait3A_38 = arith.constant 0 : i32
    %dma_wait3A_39 = tpu.memref_slice %arg3[%add3A, %dma_wait3A_37, %dma_wait3A_38] : memref<32x79x128xi32, #tpu.memory_space<hbm>> -> memref<1x79x128xi32, #tpu.memory_space<hbm>>
    %dma_wait3A_40 = tpu.memref_squeeze %dma_wait3A_39 : memref<1x79x128xi32, #tpu.memory_space<hbm>> -> memref<79x128xi32, #tpu.memory_space<hbm>>
    tpu.wait_dma2 semaphore(%arg15 : memref<!tpu.dma_semaphore, #tpu.memory_space<semaphore_mem>>) src(%dma_wait3A_40 : memref<79x128xi32, #tpu.memory_space<hbm>>) dst(%arg7 : memref<79x128xi32, #tpu.memory_space<vmem>>)
    %dma_wait3A_41 = arith.constant 0 : i32
    %dma_wait3A_42 = arith.constant 0 : i32
    %dma_wait3A_43 = tpu.memref_slice %arg4[%add3A, %dma_wait3A_41, %dma_wait3A_42] : memref<32x79x128xi32, #tpu.memory_space<hbm>> -> memref<1x79x128xi32, #tpu.memory_space<hbm>>
    %dma_wait3A_44 = tpu.memref_squeeze %dma_wait3A_43 : memref<1x79x128xi32, #tpu.memory_space<hbm>> -> memref<79x128xi32, #tpu.memory_space<hbm>>
    %dma_wait3A_45 = arith.constant 0 : i32
    %dma_wait3A_46 = arith.constant 0 : i32
    %dma_wait3A_47 = tpu.memref_slice %arg4[%add3A, %dma_wait3A_45, %dma_wait3A_46] : memref<32x79x128xi32, #tpu.memory_space<hbm>> -> memref<1x79x128xi32, #tpu.memory_space<hbm>>
    %dma_wait3A_48 = tpu.memref_squeeze %dma_wait3A_47 : memref<1x79x128xi32, #tpu.memory_space<hbm>> -> memref<79x128xi32, #tpu.memory_space<hbm>>
    tpu.wait_dma2 semaphore(%arg16 : memref<!tpu.dma_semaphore, #tpu.memory_space<semaphore_mem>>) src(%dma_wait3A_48 : memref<79x128xi32, #tpu.memory_space<hbm>>) dst(%arg8 : memref<79x128xi32, #tpu.memory_space<vmem>>)
    %barrier3A = arith.constant 0 : index
    tpu.barrier barrier_id(%barrier3A)
    %scan3A = arith.constant 0 : i32
    %scan3A_49 = arith.constant 0 : i32
    %scan3A_50 = arith.constant 39 : i32
    %scan3A_51 = arith.addi %scan3A_49, %scan3A_50 : i32
    %scan3A_52 = arith.constant 1 : i32
    scf.for %scan3A_69 = %scan3A_49 to %scan3A_51 step %scan3A_52  : i32 {
      %mul3A_70 = arith.constant 2 : i32
      %mul3A_71 = arith.muli %mul3A_70, %scan3A_69 : i32
      %add3A_72 = arith.constant 1 : i32
      %add3A_73 = arith.addi %mul3A_71, %add3A_72 : i32
      %dma_start3A_74 = arith.constant 0 : i32
      %dma_start3A_75 = tpu.memref_slice %arg7[%mul3A_71, %dma_start3A_74] : memref<79x128xi32, #tpu.memory_space<vmem>> -> memref<1x128xi32, #tpu.memory_space<vmem>>
      %dma_start3A_76 = tpu.memref_squeeze %dma_start3A_75 : memref<1x128xi32, #tpu.memory_space<vmem>> -> memref<128xi32, #tpu.memory_space<vmem>>
      %dma_start3A_77 = arith.constant 0 : i32
      %dma_start3A_78 = arith.constant 0 : i32
      %dma_start3A_79 = tpu.memref_slice %arg11[%dma_start3A_77, %dma_start3A_78] : memref<10240x64xf32, #tpu.memory_space<vmem_shared>> -> memref<10240x64xf32, #tpu.memory_space<vmem_shared>>
      tpu.enqueue_indirect_dma source(%dma_start3A_79 : memref<10240x64xf32, #tpu.memory_space<vmem_shared>>) target(%arg9 : memref<128x64xf32, #tpu.memory_space<vmem>>) offsets(%dma_start3A_76 : memref<128xi32, #tpu.memory_space<vmem>>) semaphore(%arg13 : memref<!tpu.dma_semaphore, #tpu.memory_space<semaphore_mem>>)
      %dma_wait3A_80 = arith.constant 0 : i32
      %dma_wait3A_81 = tpu.memref_slice %arg7[%mul3A_71, %dma_wait3A_80] : memref<79x128xi32, #tpu.memory_space<vmem>> -> memref<1x128xi32, #tpu.memory_space<vmem>>
      %dma_wait3A_82 = tpu.memref_squeeze %dma_wait3A_81 : memref<1x128xi32, #tpu.memory_space<vmem>> -> memref<128xi32, #tpu.memory_space<vmem>>
      %dma_wait3A_83 = arith.constant 0 : i32
      %dma_wait3A_84 = arith.constant 0 : i32
      %dma_wait3A_85 = tpu.memref_slice %arg11[%dma_wait3A_83, %dma_wait3A_84] : memref<10240x64xf32, #tpu.memory_space<vmem_shared>> -> memref<10240x64xf32, #tpu.memory_space<vmem_shared>>
      tpu.wait_indirect_dma semaphore(%arg13 : memref<!tpu.dma_semaphore, #tpu.memory_space<semaphore_mem>>) src(%dma_wait3A_85 : memref<10240x64xf32, #tpu.memory_space<vmem_shared>>) dst(%arg9 : memref<128x64xf32, #tpu.memory_space<vmem>>)
      %dma_start3A_86 = arith.constant 0 : i32
      %dma_start3A_87 = tpu.memref_slice %arg7[%add3A_73, %dma_start3A_86] : memref<79x128xi32, #tpu.memory_space<vmem>> -> memref<1x128xi32, #tpu.memory_space<vmem>>
      %dma_start3A_88 = tpu.memref_squeeze %dma_start3A_87 : memref<1x128xi32, #tpu.memory_space<vmem>> -> memref<128xi32, #tpu.memory_space<vmem>>
      %dma_start3A_89 = arith.constant 0 : i32
      %dma_start3A_90 = arith.constant 0 : i32
      %dma_start3A_91 = tpu.memref_slice %arg11[%dma_start3A_89, %dma_start3A_90] : memref<10240x64xf32, #tpu.memory_space<vmem_shared>> -> memref<10240x64xf32, #tpu.memory_space<vmem_shared>>
      tpu.enqueue_indirect_dma source(%dma_start3A_91 : memref<10240x64xf32, #tpu.memory_space<vmem_shared>>) target(%arg10 : memref<128x64xf32, #tpu.memory_space<vmem>>) offsets(%dma_start3A_88 : memref<128xi32, #tpu.memory_space<vmem>>) semaphore(%arg14 : memref<!tpu.dma_semaphore, #tpu.memory_space<semaphore_mem>>)
      "tpu.region"() ({
        %run_scoped3A_98 = tpu.sem_alloc : memref<!tpu.dma_semaphore, #tpu.memory_space<semaphore_mem>>
        %dma_start3A_99 = arith.constant 0 : i32
        %dma_start3A_100 = tpu.memref_slice %arg8[%mul3A_71, %dma_start3A_99] : memref<79x128xi32, #tpu.memory_space<vmem>> -> memref<1x128xi32, #tpu.memory_space<vmem>>
        %dma_start3A_101 = tpu.memref_squeeze %dma_start3A_100 : memref<1x128xi32, #tpu.memory_space<vmem>> -> memref<128xi32, #tpu.memory_space<vmem>>
        %dma_start3A_102 = arith.constant 0 : i32
        %dma_start3A_103 = arith.constant 0 : i32
        %dma_start3A_104 = tpu.memref_slice %arg12[%dma_start3A_102, %dma_start3A_103] : memref<10240x64xf32, #tpu.memory_space<vmem_shared>> -> memref<10240x64xf32, #tpu.memory_space<vmem_shared>>
        tpu.enqueue_indirect_dma source(%arg9 : memref<128x64xf32, #tpu.memory_space<vmem>>) target(%dma_start3A_104 : memref<10240x64xf32, #tpu.memory_space<vmem_shared>>) offsets(%dma_start3A_101 : memref<128xi32, #tpu.memory_space<vmem>>) semaphore(%run_scoped3A_98 : memref<!tpu.dma_semaphore, #tpu.memory_space<semaphore_mem>>) {add = true}
        %dma_wait3A_105 = arith.constant 0 : i32
        %dma_wait3A_106 = tpu.memref_slice %arg8[%mul3A_71, %dma_wait3A_105] : memref<79x128xi32, #tpu.memory_space<vmem>> -> memref<1x128xi32, #tpu.memory_space<vmem>>
        %dma_wait3A_107 = tpu.memref_squeeze %dma_wait3A_106 : memref<1x128xi32, #tpu.memory_space<vmem>> -> memref<128xi32, #tpu.memory_space<vmem>>
        %dma_wait3A_108 = arith.constant 0 : i32
        %dma_wait3A_109 = arith.constant 0 : i32
        %dma_wait3A_110 = tpu.memref_slice %arg12[%dma_wait3A_108, %dma_wait3A_109] : memref<10240x64xf32, #tpu.memory_space<vmem_shared>> -> memref<10240x64xf32, #tpu.memory_space<vmem_shared>>
        tpu.wait_indirect_dma semaphore(%run_scoped3A_98 : memref<!tpu.dma_semaphore, #tpu.memory_space<semaphore_mem>>) src(%arg9 : memref<128x64xf32, #tpu.memory_space<vmem>>) dst(%dma_wait3A_110 : memref<10240x64xf32, #tpu.memory_space<vmem_shared>>)
        tpu.yield
      }) : () -> ()
      %dma_wait3A_92 = arith.constant 0 : i32
      %dma_wait3A_93 = tpu.memref_slice %arg7[%add3A_73, %dma_wait3A_92] : memref<79x128xi32, #tpu.memory_space<vmem>> -> memref<1x128xi32, #tpu.memory_space<vmem>>
      %dma_wait3A_94 = tpu.memref_squeeze %dma_wait3A_93 : memref<1x128xi32, #tpu.memory_space<vmem>> -> memref<128xi32, #tpu.memory_space<vmem>>
      %dma_wait3A_95 = arith.constant 0 : i32
      %dma_wait3A_96 = arith.constant 0 : i32
      %dma_wait3A_97 = tpu.memref_slice %arg11[%dma_wait3A_95, %dma_wait3A_96] : memref<10240x64xf32, #tpu.memory_space<vmem_shared>> -> memref<10240x64xf32, #tpu.memory_space<vmem_shared>>
      tpu.wait_indirect_dma semaphore(%arg14 : memref<!tpu.dma_semaphore, #tpu.memory_space<semaphore_mem>>) src(%dma_wait3A_97 : memref<10240x64xf32, #tpu.memory_space<vmem_shared>>) dst(%arg10 : memref<128x64xf32, #tpu.memory_space<vmem>>)
      "tpu.region"() ({
        %run_scoped3A_98 = tpu.sem_alloc : memref<!tpu.dma_semaphore, #tpu.memory_space<semaphore_mem>>
        %dma_start3A_99 = arith.constant 0 : i32
        %dma_start3A_100 = tpu.memref_slice %arg8[%add3A_73, %dma_start3A_99] : memref<79x128xi32, #tpu.memory_space<vmem>> -> memref<1x128xi32, #tpu.memory_space<vmem>>
        %dma_start3A_101 = tpu.memref_squeeze %dma_start3A_100 : memref<1x128xi32, #tpu.memory_space<vmem>> -> memref<128xi32, #tpu.memory_space<vmem>>
        %dma_start3A_102 = arith.constant 0 : i32
        %dma_start3A_103 = arith.constant 0 : i32
        %dma_start3A_104 = tpu.memref_slice %arg12[%dma_start3A_102, %dma_start3A_103] : memref<10240x64xf32, #tpu.memory_space<vmem_shared>> -> memref<10240x64xf32, #tpu.memory_space<vmem_shared>>
        tpu.enqueue_indirect_dma source(%arg10 : memref<128x64xf32, #tpu.memory_space<vmem>>) target(%dma_start3A_104 : memref<10240x64xf32, #tpu.memory_space<vmem_shared>>) offsets(%dma_start3A_101 : memref<128xi32, #tpu.memory_space<vmem>>) semaphore(%run_scoped3A_98 : memref<!tpu.dma_semaphore, #tpu.memory_space<semaphore_mem>>) {add = true}
        %dma_wait3A_105 = arith.constant 0 : i32
        %dma_wait3A_106 = tpu.memref_slice %arg8[%add3A_73, %dma_wait3A_105] : memref<79x128xi32, #tpu.memory_space<vmem>> -> memref<1x128xi32, #tpu.memory_space<vmem>>
        %dma_wait3A_107 = tpu.memref_squeeze %dma_wait3A_106 : memref<1x128xi32, #tpu.memory_space<vmem>> -> memref<128xi32, #tpu.memory_space<vmem>>
        %dma_wait3A_108 = arith.constant 0 : i32
        %dma_wait3A_109 = arith.constant 0 : i32
        %dma_wait3A_110 = tpu.memref_slice %arg12[%dma_wait3A_108, %dma_wait3A_109] : memref<10240x64xf32, #tpu.memory_space<vmem_shared>> -> memref<10240x64xf32, #tpu.memory_space<vmem_shared>>
        tpu.wait_indirect_dma semaphore(%run_scoped3A_98 : memref<!tpu.dma_semaphore, #tpu.memory_space<semaphore_mem>>) src(%arg10 : memref<128x64xf32, #tpu.memory_space<vmem>>) dst(%dma_wait3A_110 : memref<10240x64xf32, #tpu.memory_space<vmem_shared>>)
        tpu.yield
      }) : () -> ()
    }
    %scan3A_53 = arith.constant 39 : i32
    %dma_start3A_54 = arith.constant 78 : i32
    %dma_start3A_55 = arith.constant 0 : i32
    %dma_start3A_56 = tpu.memref_slice %arg7[%dma_start3A_54, %dma_start3A_55] : memref<79x128xi32, #tpu.memory_space<vmem>> -> memref<1x128xi32, #tpu.memory_space<vmem>>
    %dma_start3A_57 = tpu.memref_squeeze %dma_start3A_56 : memref<1x128xi32, #tpu.memory_space<vmem>> -> memref<128xi32, #tpu.memory_space<vmem>>
    %dma_start3A_58 = arith.constant 0 : i32
    %dma_start3A_59 = arith.constant 0 : i32
    %dma_start3A_60 = tpu.memref_slice %arg11[%dma_start3A_58, %dma_start3A_59] : memref<10240x64xf32, #tpu.memory_space<vmem_shared>> -> memref<10240x64xf32, #tpu.memory_space<vmem_shared>>
    tpu.enqueue_indirect_dma source(%dma_start3A_60 : memref<10240x64xf32, #tpu.memory_space<vmem_shared>>) target(%arg9 : memref<128x64xf32, #tpu.memory_space<vmem>>) offsets(%dma_start3A_57 : memref<128xi32, #tpu.memory_space<vmem>>) semaphore(%arg13 : memref<!tpu.dma_semaphore, #tpu.memory_space<semaphore_mem>>)
    %dma_wait3A_61 = arith.constant 78 : i32
    %dma_wait3A_62 = arith.constant 0 : i32
    %dma_wait3A_63 = tpu.memref_slice %arg7[%dma_wait3A_61, %dma_wait3A_62] : memref<79x128xi32, #tpu.memory_space<vmem>> -> memref<1x128xi32, #tpu.memory_space<vmem>>
    %dma_wait3A_64 = tpu.memref_squeeze %dma_wait3A_63 : memref<1x128xi32, #tpu.memory_space<vmem>> -> memref<128xi32, #tpu.memory_space<vmem>>
    %dma_wait3A_65 = arith.constant 0 : i32
    %dma_wait3A_66 = arith.constant 0 : i32
    %dma_wait3A_67 = tpu.memref_slice %arg11[%dma_wait3A_65, %dma_wait3A_66] : memref<10240x64xf32, #tpu.memory_space<vmem_shared>> -> memref<10240x64xf32, #tpu.memory_space<vmem_shared>>
    tpu.wait_indirect_dma semaphore(%arg13 : memref<!tpu.dma_semaphore, #tpu.memory_space<semaphore_mem>>) src(%dma_wait3A_67 : memref<10240x64xf32, #tpu.memory_space<vmem_shared>>) dst(%arg9 : memref<128x64xf32, #tpu.memory_space<vmem>>)
    %run_scoped3A = arith.constant 78 : i32
    "tpu.region"() ({
      %run_scoped3A_69 = tpu.sem_alloc : memref<!tpu.dma_semaphore, #tpu.memory_space<semaphore_mem>>
      %dma_start3A_70 = arith.constant 0 : i32
      %dma_start3A_71 = tpu.memref_slice %arg8[%run_scoped3A, %dma_start3A_70] : memref<79x128xi32, #tpu.memory_space<vmem>> -> memref<1x128xi32, #tpu.memory_space<vmem>>
      %dma_start3A_72 = tpu.memref_squeeze %dma_start3A_71 : memref<1x128xi32, #tpu.memory_space<vmem>> -> memref<128xi32, #tpu.memory_space<vmem>>
      %dma_start3A_73 = arith.constant 0 : i32
      %dma_start3A_74 = arith.constant 0 : i32
      %dma_start3A_75 = tpu.memref_slice %arg12[%dma_start3A_73, %dma_start3A_74] : memref<10240x64xf32, #tpu.memory_space<vmem_shared>> -> memref<10240x64xf32, #tpu.memory_space<vmem_shared>>
      tpu.enqueue_indirect_dma source(%arg9 : memref<128x64xf32, #tpu.memory_space<vmem>>) target(%dma_start3A_75 : memref<10240x64xf32, #tpu.memory_space<vmem_shared>>) offsets(%dma_start3A_72 : memref<128xi32, #tpu.memory_space<vmem>>) semaphore(%run_scoped3A_69 : memref<!tpu.dma_semaphore, #tpu.memory_space<semaphore_mem>>) {add = true}
      %dma_wait3A_76 = arith.constant 0 : i32
      %dma_wait3A_77 = tpu.memref_slice %arg8[%run_scoped3A, %dma_wait3A_76] : memref<79x128xi32, #tpu.memory_space<vmem>> -> memref<1x128xi32, #tpu.memory_space<vmem>>
      %dma_wait3A_78 = tpu.memref_squeeze %dma_wait3A_77 : memref<1x128xi32, #tpu.memory_space<vmem>> -> memref<128xi32, #tpu.memory_space<vmem>>
      %dma_wait3A_79 = arith.constant 0 : i32
      %dma_wait3A_80 = arith.constant 0 : i32
      %dma_wait3A_81 = tpu.memref_slice %arg12[%dma_wait3A_79, %dma_wait3A_80] : memref<10240x64xf32, #tpu.memory_space<vmem_shared>> -> memref<10240x64xf32, #tpu.memory_space<vmem_shared>>
      tpu.wait_indirect_dma semaphore(%run_scoped3A_69 : memref<!tpu.dma_semaphore, #tpu.memory_space<semaphore_mem>>) src(%arg9 : memref<128x64xf32, #tpu.memory_space<vmem>>) dst(%dma_wait3A_81 : memref<10240x64xf32, #tpu.memory_space<vmem_shared>>)
      tpu.yield
    }) : () -> ()
    %barrier3A_68 = arith.constant 0 : index
    tpu.barrier barrier_id(%barrier3A_68)
    "tpu.region"() ({
      %run_scoped3A_69 = tpu.sem_alloc : memref<!tpu.dma_semaphore, #tpu.memory_space<semaphore_mem>>
      %dma_start3A_70 = arith.constant 0 : i32
      %dma_start3A_71 = tpu.memref_slice %arg6[%arg0, %mul3A_2, %dma_start3A_70] : memref<2x10240x64xf32, #tpu.memory_space<hbm>> -> memref<1x640x64xf32, #tpu.memory_space<hbm>>
      %dma_start3A_72 = tpu.memref_squeeze %dma_start3A_71 : memref<1x640x64xf32, #tpu.memory_space<hbm>> -> memref<640x64xf32, #tpu.memory_space<hbm>>
      %dma_start3A_73 = arith.constant 0 : i32
      %dma_start3A_74 = tpu.memref_slice %arg12[%mul3A_2, %dma_start3A_73] : memref<10240x64xf32, #tpu.memory_space<vmem_shared>> -> memref<640x64xf32, #tpu.memory_space<vmem_shared>>
      tpu.enqueue_dma source(%dma_start3A_74 : memref<640x64xf32, #tpu.memory_space<vmem_shared>>) target(%dma_start3A_72 : memref<640x64xf32, #tpu.memory_space<hbm>>) target_semaphore(%run_scoped3A_69 : memref<!tpu.dma_semaphore, #tpu.memory_space<semaphore_mem>>)
      %dma_wait3A_75 = arith.constant 0 : i32
      %dma_wait3A_76 = tpu.memref_slice %arg6[%arg0, %mul3A_2, %dma_wait3A_75] : memref<2x10240x64xf32, #tpu.memory_space<hbm>> -> memref<1x640x64xf32, #tpu.memory_space<hbm>>
      %dma_wait3A_77 = tpu.memref_squeeze %dma_wait3A_76 : memref<1x640x64xf32, #tpu.memory_space<hbm>> -> memref<640x64xf32, #tpu.memory_space<hbm>>
      %dma_wait3A_78 = arith.constant 0 : i32
      %dma_wait3A_79 = tpu.memref_slice %arg12[%mul3A_2, %dma_wait3A_78] : memref<10240x64xf32, #tpu.memory_space<vmem_shared>> -> memref<640x64xf32, #tpu.memory_space<vmem_shared>>
      tpu.wait_dma2 semaphore(%run_scoped3A_69 : memref<!tpu.dma_semaphore, #tpu.memory_space<semaphore_mem>>) src(%dma_wait3A_79 : memref<640x64xf32, #tpu.memory_space<vmem_shared>>) dst(%dma_wait3A_77 : memref<640x64xf32, #tpu.memory_space<hbm>>)
      tpu.yield
    }) : () -> ()
    return
  }
}

#map = affine_map<(d0, d1) -> (0, 0)>
#map1 = affine_map<(d0, d1) -> (0, 0, 0)>
module attributes {stable_mosaic.version = 14 : i64} {
  func.func @scatter_kernel(%arg0: i32, %arg1: i32, %arg2: memref<10240x64xf32, #tpu.memory_space<hbm>>, %arg3: memref<32x79x128xi32, #tpu.memory_space<hbm>>, %arg4: memref<32x79x128xi32, #tpu.memory_space<hbm>>, %arg5: memref<10240x64xf32, #tpu.memory_space<hbm>>, %arg6: memref<2x10240x64xf32, #tpu.memory_space<hbm>>, %arg7: memref<79x128xi32, #tpu.memory_space<vmem>>, %arg8: memref<79x128xi32, #tpu.memory_space<vmem>>, %arg9: memref<128x64xf32, #tpu.memory_space<vmem>>, %arg10: memref<128x64xf32, #tpu.memory_space<vmem>>, %arg11: memref<10240x64xf32, #tpu.memory_space<vmem_shared>>, %arg12: memref<10240x64xf32, #tpu.memory_space<vmem_shared>>, %arg13: memref<!tpu.dma_semaphore, #tpu.memory_space<semaphore_mem>>, %arg14: memref<!tpu.dma_semaphore, #tpu.memory_space<semaphore_mem>>, %arg15: memref<!tpu.dma_semaphore, #tpu.memory_space<semaphore_mem>>, %arg16: memref<!tpu.dma_semaphore, #tpu.memory_space<semaphore_mem>>) attributes {dimension_semantics = [#tpu.dimension_semantics<core_parallel>, #tpu.dimension_semantics<subcore_parallel>], iteration_bounds = array<i64: 2, 16>, scalar_prefetch = 0 : i64, scratch_operands = 10 : i64, tpu.core_type = #tpu.core_type<sc_vector_subcore>, window_params = [{transform_indices = #map}, {transform_indices = #map1}, {transform_indices = #map1}, {transform_indices = #map}, {transform_indices = #map1}]} {
    %mul3A = arith.constant 2 : i32
    %mul3A_0 = arith.muli %arg1, %mul3A : i32
    %add3A = arith.addi %mul3A_0, %arg0 : i32
    %mul3A_1 = arith.constant 640 : i32
    %mul3A_2 = arith.muli %arg1, %mul3A_1 : i32
    %dma_start3A = arith.constant 0 : i32
    %dma_start3A_3 = tpu.memref_slice %arg11[%mul3A_2, %dma_start3A] : memref<10240x64xf32, #tpu.memory_space<vmem_shared>> -> memref<640x64xf32, #tpu.memory_space<vmem_shared>>
    %dma_start3A_4 = arith.constant 0 : i32
    %dma_start3A_5 = tpu.memref_slice %arg2[%mul3A_2, %dma_start3A_4] : memref<10240x64xf32, #tpu.memory_space<hbm>> -> memref<640x64xf32, #tpu.memory_space<hbm>>
    tpu.enqueue_dma source(%dma_start3A_5 : memref<640x64xf32, #tpu.memory_space<hbm>>) target(%dma_start3A_3 : memref<640x64xf32, #tpu.memory_space<vmem_shared>>) target_semaphore(%arg13 : memref<!tpu.dma_semaphore, #tpu.memory_space<semaphore_mem>>)
    %dma_start3A_6 = arith.constant 0 : i32
    %dma_start3A_7 = tpu.memref_slice %arg12[%mul3A_2, %dma_start3A_6] : memref<10240x64xf32, #tpu.memory_space<vmem_shared>> -> memref<640x64xf32, #tpu.memory_space<vmem_shared>>
    %dma_start3A_8 = arith.constant 0 : i32
    %dma_start3A_9 = tpu.memref_slice %arg5[%mul3A_2, %dma_start3A_8] : memref<10240x64xf32, #tpu.memory_space<hbm>> -> memref<640x64xf32, #tpu.memory_space<hbm>>
    tpu.enqueue_dma source(%dma_start3A_9 : memref<640x64xf32, #tpu.memory_space<hbm>>) target(%dma_start3A_7 : memref<640x64xf32, #tpu.memory_space<vmem_shared>>) target_semaphore(%arg14 : memref<!tpu.dma_semaphore, #tpu.memory_space<semaphore_mem>>)
    %dma_start3A_10 = arith.constant 0 : i32
    %dma_start3A_11 = arith.constant 0 : i32
    %dma_start3A_12 = tpu.memref_slice %arg3[%add3A, %dma_start3A_10, %dma_start3A_11] : memref<32x79x128xi32, #tpu.memory_space<hbm>> -> memref<1x79x128xi32, #tpu.memory_space<hbm>>
    %dma_start3A_13 = tpu.memref_squeeze %dma_start3A_12 : memref<1x79x128xi32, #tpu.memory_space<hbm>> -> memref<79x128xi32, #tpu.memory_space<hbm>>
    %dma_start3A_14 = arith.constant 0 : i32
    %dma_start3A_15 = arith.constant 0 : i32
    %dma_start3A_16 = tpu.memref_slice %arg3[%add3A, %dma_start3A_14, %dma_start3A_15] : memref<32x79x128xi32, #tpu.memory_space<hbm>> -> memref<1x79x128xi32, #tpu.memory_space<hbm>>
    %dma_start3A_17 = tpu.memref_squeeze %dma_start3A_16 : memref<1x79x128xi32, #tpu.memory_space<hbm>> -> memref<79x128xi32, #tpu.memory_space<hbm>>
    tpu.enqueue_dma source(%dma_start3A_17 : memref<79x128xi32, #tpu.memory_space<hbm>>) target(%arg7 : memref<79x128xi32, #tpu.memory_space<vmem>>) target_semaphore(%arg15 : memref<!tpu.dma_semaphore, #tpu.memory_space<semaphore_mem>>)
    %dma_start3A_18 = arith.constant 0 : i32
    %dma_start3A_19 = arith.constant 0 : i32
    %dma_start3A_20 = tpu.memref_slice %arg4[%add3A, %dma_start3A_18, %dma_start3A_19] : memref<32x79x128xi32, #tpu.memory_space<hbm>> -> memref<1x79x128xi32, #tpu.memory_space<hbm>>
    %dma_start3A_21 = tpu.memref_squeeze %dma_start3A_20 : memref<1x79x128xi32, #tpu.memory_space<hbm>> -> memref<79x128xi32, #tpu.memory_space<hbm>>
    %dma_start3A_22 = arith.constant 0 : i32
    %dma_start3A_23 = arith.constant 0 : i32
    %dma_start3A_24 = tpu.memref_slice %arg4[%add3A, %dma_start3A_22, %dma_start3A_23] : memref<32x79x128xi32, #tpu.memory_space<hbm>> -> memref<1x79x128xi32, #tpu.memory_space<hbm>>
    %dma_start3A_25 = tpu.memref_squeeze %dma_start3A_24 : memref<1x79x128xi32, #tpu.memory_space<hbm>> -> memref<79x128xi32, #tpu.memory_space<hbm>>
    tpu.enqueue_dma source(%dma_start3A_25 : memref<79x128xi32, #tpu.memory_space<hbm>>) target(%arg8 : memref<79x128xi32, #tpu.memory_space<vmem>>) target_semaphore(%arg16 : memref<!tpu.dma_semaphore, #tpu.memory_space<semaphore_mem>>)
    %dma_wait3A = arith.constant 0 : i32
    %dma_wait3A_26 = tpu.memref_slice %arg11[%mul3A_2, %dma_wait3A] : memref<10240x64xf32, #tpu.memory_space<vmem_shared>> -> memref<640x64xf32, #tpu.memory_space<vmem_shared>>
    %dma_wait3A_27 = arith.constant 0 : i32
    %dma_wait3A_28 = tpu.memref_slice %arg2[%mul3A_2, %dma_wait3A_27] : memref<10240x64xf32, #tpu.memory_space<hbm>> -> memref<640x64xf32, #tpu.memory_space<hbm>>
    tpu.wait_dma2 semaphore(%arg13 : memref<!tpu.dma_semaphore, #tpu.memory_space<semaphore_mem>>) src(%dma_wait3A_28 : memref<640x64xf32, #tpu.memory_space<hbm>>) dst(%dma_wait3A_26 : memref<640x64xf32, #tpu.memory_space<vmem_shared>>)
    %dma_wait3A_29 = arith.constant 0 : i32
    %dma_wait3A_30 = tpu.memref_slice %arg12[%mul3A_2, %dma_wait3A_29] : memref<10240x64xf32, #tpu.memory_space<vmem_shared>> -> memref<640x64xf32, #tpu.memory_space<vmem_shared>>
    %dma_wait3A_31 = arith.constant 0 : i32
    %dma_wait3A_32 = tpu.memref_slice %arg5[%mul3A_2, %dma_wait3A_31] : memref<10240x64xf32, #tpu.memory_space<hbm>> -> memref<640x64xf32, #tpu.memory_space<hbm>>
    tpu.wait_dma2 semaphore(%arg14 : memref<!tpu.dma_semaphore, #tpu.memory_space<semaphore_mem>>) src(%dma_wait3A_32 : memref<640x64xf32, #tpu.memory_space<hbm>>) dst(%dma_wait3A_30 : memref<640x64xf32, #tpu.memory_space<vmem_shared>>)
    %dma_wait3A_33 = arith.constant 0 : i32
    %dma_wait3A_34 = arith.constant 0 : i32
    %dma_wait3A_35 = tpu.memref_slice %arg3[%add3A, %dma_wait3A_33, %dma_wait3A_34] : memref<32x79x128xi32, #tpu.memory_space<hbm>> -> memref<1x79x128xi32, #tpu.memory_space<hbm>>
    %dma_wait3A_36 = tpu.memref_squeeze %dma_wait3A_35 : memref<1x79x128xi32, #tpu.memory_space<hbm>> -> memref<79x128xi32, #tpu.memory_space<hbm>>
    %dma_wait3A_37 = arith.constant 0 : i32
    %dma_wait3A_38 = arith.constant 0 : i32
    %dma_wait3A_39 = tpu.memref_slice %arg3[%add3A, %dma_wait3A_37, %dma_wait3A_38] : memref<32x79x128xi32, #tpu.memory_space<hbm>> -> memref<1x79x128xi32, #tpu.memory_space<hbm>>
    %dma_wait3A_40 = tpu.memref_squeeze %dma_wait3A_39 : memref<1x79x128xi32, #tpu.memory_space<hbm>> -> memref<79x128xi32, #tpu.memory_space<hbm>>
    tpu.wait_dma2 semaphore(%arg15 : memref<!tpu.dma_semaphore, #tpu.memory_space<semaphore_mem>>) src(%dma_wait3A_40 : memref<79x128xi32, #tpu.memory_space<hbm>>) dst(%arg7 : memref<79x128xi32, #tpu.memory_space<vmem>>)
    %dma_wait3A_41 = arith.constant 0 : i32
    %dma_wait3A_42 = arith.constant 0 : i32
    %dma_wait3A_43 = tpu.memref_slice %arg4[%add3A, %dma_wait3A_41, %dma_wait3A_42] : memref<32x79x128xi32, #tpu.memory_space<hbm>> -> memref<1x79x128xi32, #tpu.memory_space<hbm>>
    %dma_wait3A_44 = tpu.memref_squeeze %dma_wait3A_43 : memref<1x79x128xi32, #tpu.memory_space<hbm>> -> memref<79x128xi32, #tpu.memory_space<hbm>>
    %dma_wait3A_45 = arith.constant 0 : i32
    %dma_wait3A_46 = arith.constant 0 : i32
    %dma_wait3A_47 = tpu.memref_slice %arg4[%add3A, %dma_wait3A_45, %dma_wait3A_46] : memref<32x79x128xi32, #tpu.memory_space<hbm>> -> memref<1x79x128xi32, #tpu.memory_space<hbm>>
    %dma_wait3A_48 = tpu.memref_squeeze %dma_wait3A_47 : memref<1x79x128xi32, #tpu.memory_space<hbm>> -> memref<79x128xi32, #tpu.memory_space<hbm>>
    tpu.wait_dma2 semaphore(%arg16 : memref<!tpu.dma_semaphore, #tpu.memory_space<semaphore_mem>>) src(%dma_wait3A_48 : memref<79x128xi32, #tpu.memory_space<hbm>>) dst(%arg8 : memref<79x128xi32, #tpu.memory_space<vmem>>)
    %barrier3A = arith.constant 0 : index
    tpu.barrier barrier_id(%barrier3A)
    %scan3A = arith.constant 0 : i32
    %scan3A_49 = arith.constant 0 : i32
    %scan3A_50 = arith.constant 39 : i32
    %scan3A_51 = arith.addi %scan3A_49, %scan3A_50 : i32
    %scan3A_52 = arith.constant 1 : i32
    scf.for %scan3A_69 = %scan3A_49 to %scan3A_51 step %scan3A_52  : i32 {
      %mul3A_70 = arith.constant 2 : i32
      %mul3A_71 = arith.muli %mul3A_70, %scan3A_69 : i32
      %add3A_72 = arith.constant 1 : i32
      %add3A_73 = arith.addi %mul3A_71, %add3A_72 : i32
      %dma_start3A_74 = arith.constant 0 : i32
      %dma_start3A_75 = tpu.memref_slice %arg7[%mul3A_71, %dma_start3A_74] : memref<79x128xi32, #tpu.memory_space<vmem>> -> memref<1x128xi32, #tpu.memory_space<vmem>>
      %dma_start3A_76 = tpu.memref_squeeze %dma_start3A_75 : memref<1x128xi32, #tpu.memory_space<vmem>> -> memref<128xi32, #tpu.memory_space<vmem>>
      %dma_start3A_77 = arith.constant 0 : i32
      %dma_start3A_78 = arith.constant 0 : i32
      %dma_start3A_79 = tpu.memref_slice %arg11[%dma_start3A_77, %dma_start3A_78] : memref<10240x64xf32, #tpu.memory_space<vmem_shared>> -> memref<10240x64xf32, #tpu.memory_space<vmem_shared>>
      tpu.enqueue_indirect_dma source(%dma_start3A_79 : memref<10240x64xf32, #tpu.memory_space<vmem_shared>>) target(%arg9 : memref<128x64xf32, #tpu.memory_space<vmem>>) offsets(%dma_start3A_76 : memref<128xi32, #tpu.memory_space<vmem>>) semaphore(%arg13 : memref<!tpu.dma_semaphore, #tpu.memory_space<semaphore_mem>>)
      %dma_wait3A_80 = arith.constant 0 : i32
      %dma_wait3A_81 = tpu.memref_slice %arg7[%mul3A_71, %dma_wait3A_80] : memref<79x128xi32, #tpu.memory_space<vmem>> -> memref<1x128xi32, #tpu.memory_space<vmem>>
      %dma_wait3A_82 = tpu.memref_squeeze %dma_wait3A_81 : memref<1x128xi32, #tpu.memory_space<vmem>> -> memref<128xi32, #tpu.memory_space<vmem>>
      %dma_wait3A_83 = arith.constant 0 : i32
      %dma_wait3A_84 = arith.constant 0 : i32
      %dma_wait3A_85 = tpu.memref_slice %arg11[%dma_wait3A_83, %dma_wait3A_84] : memref<10240x64xf32, #tpu.memory_space<vmem_shared>> -> memref<10240x64xf32, #tpu.memory_space<vmem_shared>>
      tpu.wait_indirect_dma semaphore(%arg13 : memref<!tpu.dma_semaphore, #tpu.memory_space<semaphore_mem>>) src(%dma_wait3A_85 : memref<10240x64xf32, #tpu.memory_space<vmem_shared>>) dst(%arg9 : memref<128x64xf32, #tpu.memory_space<vmem>>)
      %dma_start3A_86 = arith.constant 0 : i32
      %dma_start3A_87 = tpu.memref_slice %arg7[%add3A_73, %dma_start3A_86] : memref<79x128xi32, #tpu.memory_space<vmem>> -> memref<1x128xi32, #tpu.memory_space<vmem>>
      %dma_start3A_88 = tpu.memref_squeeze %dma_start3A_87 : memref<1x128xi32, #tpu.memory_space<vmem>> -> memref<128xi32, #tpu.memory_space<vmem>>
      %dma_start3A_89 = arith.constant 0 : i32
      %dma_start3A_90 = arith.constant 0 : i32
      %dma_start3A_91 = tpu.memref_slice %arg11[%dma_start3A_89, %dma_start3A_90] : memref<10240x64xf32, #tpu.memory_space<vmem_shared>> -> memref<10240x64xf32, #tpu.memory_space<vmem_shared>>
      tpu.enqueue_indirect_dma source(%dma_start3A_91 : memref<10240x64xf32, #tpu.memory_space<vmem_shared>>) target(%arg10 : memref<128x64xf32, #tpu.memory_space<vmem>>) offsets(%dma_start3A_88 : memref<128xi32, #tpu.memory_space<vmem>>) semaphore(%arg14 : memref<!tpu.dma_semaphore, #tpu.memory_space<semaphore_mem>>)
      "tpu.region"() ({
        %run_scoped3A_98 = tpu.sem_alloc : memref<!tpu.dma_semaphore, #tpu.memory_space<semaphore_mem>>
        %dma_start3A_99 = arith.constant 0 : i32
        %dma_start3A_100 = tpu.memref_slice %arg8[%mul3A_71, %dma_start3A_99] : memref<79x128xi32, #tpu.memory_space<vmem>> -> memref<1x128xi32, #tpu.memory_space<vmem>>
        %dma_start3A_101 = tpu.memref_squeeze %dma_start3A_100 : memref<1x128xi32, #tpu.memory_space<vmem>> -> memref<128xi32, #tpu.memory_space<vmem>>
        %dma_start3A_102 = arith.constant 0 : i32
        %dma_start3A_103 = arith.constant 0 : i32
        %dma_start3A_104 = tpu.memref_slice %arg12[%dma_start3A_102, %dma_start3A_103] : memref<10240x64xf32, #tpu.memory_space<vmem_shared>> -> memref<10240x64xf32, #tpu.memory_space<vmem_shared>>
        tpu.enqueue_indirect_dma source(%arg9 : memref<128x64xf32, #tpu.memory_space<vmem>>) target(%dma_start3A_104 : memref<10240x64xf32, #tpu.memory_space<vmem_shared>>) offsets(%dma_start3A_101 : memref<128xi32, #tpu.memory_space<vmem>>) semaphore(%run_scoped3A_98 : memref<!tpu.dma_semaphore, #tpu.memory_space<semaphore_mem>>) {add = true}
        %dma_wait3A_105 = arith.constant 0 : i32
        %dma_wait3A_106 = tpu.memref_slice %arg8[%mul3A_71, %dma_wait3A_105] : memref<79x128xi32, #tpu.memory_space<vmem>> -> memref<1x128xi32, #tpu.memory_space<vmem>>
        %dma_wait3A_107 = tpu.memref_squeeze %dma_wait3A_106 : memref<1x128xi32, #tpu.memory_space<vmem>> -> memref<128xi32, #tpu.memory_space<vmem>>
        %dma_wait3A_108 = arith.constant 0 : i32
        %dma_wait3A_109 = arith.constant 0 : i32
        %dma_wait3A_110 = tpu.memref_slice %arg12[%dma_wait3A_108, %dma_wait3A_109] : memref<10240x64xf32, #tpu.memory_space<vmem_shared>> -> memref<10240x64xf32, #tpu.memory_space<vmem_shared>>
        tpu.wait_indirect_dma semaphore(%run_scoped3A_98 : memref<!tpu.dma_semaphore, #tpu.memory_space<semaphore_mem>>) src(%arg9 : memref<128x64xf32, #tpu.memory_space<vmem>>) dst(%dma_wait3A_110 : memref<10240x64xf32, #tpu.memory_space<vmem_shared>>)
        tpu.yield
      }) : () -> ()
      %dma_wait3A_92 = arith.constant 0 : i32
      %dma_wait3A_93 = tpu.memref_slice %arg7[%add3A_73, %dma_wait3A_92] : memref<79x128xi32, #tpu.memory_space<vmem>> -> memref<1x128xi32, #tpu.memory_space<vmem>>
      %dma_wait3A_94 = tpu.memref_squeeze %dma_wait3A_93 : memref<1x128xi32, #tpu.memory_space<vmem>> -> memref<128xi32, #tpu.memory_space<vmem>>
      %dma_wait3A_95 = arith.constant 0 : i32
      %dma_wait3A_96 = arith.constant 0 : i32
      %dma_wait3A_97 = tpu.memref_slice %arg11[%dma_wait3A_95, %dma_wait3A_96] : memref<10240x64xf32, #tpu.memory_space<vmem_shared>> -> memref<10240x64xf32, #tpu.memory_space<vmem_shared>>
      tpu.wait_indirect_dma semaphore(%arg14 : memref<!tpu.dma_semaphore, #tpu.memory_space<semaphore_mem>>) src(%dma_wait3A_97 : memref<10240x64xf32, #tpu.memory_space<vmem_shared>>) dst(%arg10 : memref<128x64xf32, #tpu.memory_space<vmem>>)
      "tpu.region"() ({
        %run_scoped3A_98 = tpu.sem_alloc : memref<!tpu.dma_semaphore, #tpu.memory_space<semaphore_mem>>
        %dma_start3A_99 = arith.constant 0 : i32
        %dma_start3A_100 = tpu.memref_slice %arg8[%add3A_73, %dma_start3A_99] : memref<79x128xi32, #tpu.memory_space<vmem>> -> memref<1x128xi32, #tpu.memory_space<vmem>>
        %dma_start3A_101 = tpu.memref_squeeze %dma_start3A_100 : memref<1x128xi32, #tpu.memory_space<vmem>> -> memref<128xi32, #tpu.memory_space<vmem>>
        %dma_start3A_102 = arith.constant 0 : i32
        %dma_start3A_103 = arith.constant 0 : i32
        %dma_start3A_104 = tpu.memref_slice %arg12[%dma_start3A_102, %dma_start3A_103] : memref<10240x64xf32, #tpu.memory_space<vmem_shared>> -> memref<10240x64xf32, #tpu.memory_space<vmem_shared>>
        tpu.enqueue_indirect_dma source(%arg10 : memref<128x64xf32, #tpu.memory_space<vmem>>) target(%dma_start3A_104 : memref<10240x64xf32, #tpu.memory_space<vmem_shared>>) offsets(%dma_start3A_101 : memref<128xi32, #tpu.memory_space<vmem>>) semaphore(%run_scoped3A_98 : memref<!tpu.dma_semaphore, #tpu.memory_space<semaphore_mem>>) {add = true}
        %dma_wait3A_105 = arith.constant 0 : i32
        %dma_wait3A_106 = tpu.memref_slice %arg8[%add3A_73, %dma_wait3A_105] : memref<79x128xi32, #tpu.memory_space<vmem>> -> memref<1x128xi32, #tpu.memory_space<vmem>>
        %dma_wait3A_107 = tpu.memref_squeeze %dma_wait3A_106 : memref<1x128xi32, #tpu.memory_space<vmem>> -> memref<128xi32, #tpu.memory_space<vmem>>
        %dma_wait3A_108 = arith.constant 0 : i32
        %dma_wait3A_109 = arith.constant 0 : i32
        %dma_wait3A_110 = tpu.memref_slice %arg12[%dma_wait3A_108, %dma_wait3A_109] : memref<10240x64xf32, #tpu.memory_space<vmem_shared>> -> memref<10240x64xf32, #tpu.memory_space<vmem_shared>>
        tpu.wait_indirect_dma semaphore(%run_scoped3A_98 : memref<!tpu.dma_semaphore, #tpu.memory_space<semaphore_mem>>) src(%arg10 : memref<128x64xf32, #tpu.memory_space<vmem>>) dst(%dma_wait3A_110 : memref<10240x64xf32, #tpu.memory_space<vmem_shared>>)
        tpu.yield
      }) : () -> ()
    }
    %scan3A_53 = arith.constant 39 : i32
    %dma_start3A_54 = arith.constant 78 : i32
    %dma_start3A_55 = arith.constant 0 : i32
    %dma_start3A_56 = tpu.memref_slice %arg7[%dma_start3A_54, %dma_start3A_55] : memref<79x128xi32, #tpu.memory_space<vmem>> -> memref<1x128xi32, #tpu.memory_space<vmem>>
    %dma_start3A_57 = tpu.memref_squeeze %dma_start3A_56 : memref<1x128xi32, #tpu.memory_space<vmem>> -> memref<128xi32, #tpu.memory_space<vmem>>
    %dma_start3A_58 = arith.constant 0 : i32
    %dma_start3A_59 = arith.constant 0 : i32
    %dma_start3A_60 = tpu.memref_slice %arg11[%dma_start3A_58, %dma_start3A_59] : memref<10240x64xf32, #tpu.memory_space<vmem_shared>> -> memref<10240x64xf32, #tpu.memory_space<vmem_shared>>
    tpu.enqueue_indirect_dma source(%dma_start3A_60 : memref<10240x64xf32, #tpu.memory_space<vmem_shared>>) target(%arg9 : memref<128x64xf32, #tpu.memory_space<vmem>>) offsets(%dma_start3A_57 : memref<128xi32, #tpu.memory_space<vmem>>) semaphore(%arg13 : memref<!tpu.dma_semaphore, #tpu.memory_space<semaphore_mem>>)
    %dma_wait3A_61 = arith.constant 78 : i32
    %dma_wait3A_62 = arith.constant 0 : i32
    %dma_wait3A_63 = tpu.memref_slice %arg7[%dma_wait3A_61, %dma_wait3A_62] : memref<79x128xi32, #tpu.memory_space<vmem>> -> memref<1x128xi32, #tpu.memory_space<vmem>>
    %dma_wait3A_64 = tpu.memref_squeeze %dma_wait3A_63 : memref<1x128xi32, #tpu.memory_space<vmem>> -> memref<128xi32, #tpu.memory_space<vmem>>
    %dma_wait3A_65 = arith.constant 0 : i32
    %dma_wait3A_66 = arith.constant 0 : i32
    %dma_wait3A_67 = tpu.memref_slice %arg11[%dma_wait3A_65, %dma_wait3A_66] : memref<10240x64xf32, #tpu.memory_space<vmem_shared>> -> memref<10240x64xf32, #tpu.memory_space<vmem_shared>>
    tpu.wait_indirect_dma semaphore(%arg13 : memref<!tpu.dma_semaphore, #tpu.memory_space<semaphore_mem>>) src(%dma_wait3A_67 : memref<10240x64xf32, #tpu.memory_space<vmem_shared>>) dst(%arg9 : memref<128x64xf32, #tpu.memory_space<vmem>>)
    %run_scoped3A = arith.constant 78 : i32
    "tpu.region"() ({
      %run_scoped3A_69 = tpu.sem_alloc : memref<!tpu.dma_semaphore, #tpu.memory_space<semaphore_mem>>
      %dma_start3A_70 = arith.constant 0 : i32
      %dma_start3A_71 = tpu.memref_slice %arg8[%run_scoped3A, %dma_start3A_70] : memref<79x128xi32, #tpu.memory_space<vmem>> -> memref<1x128xi32, #tpu.memory_space<vmem>>
      %dma_start3A_72 = tpu.memref_squeeze %dma_start3A_71 : memref<1x128xi32, #tpu.memory_space<vmem>> -> memref<128xi32, #tpu.memory_space<vmem>>
      %dma_start3A_73 = arith.constant 0 : i32
      %dma_start3A_74 = arith.constant 0 : i32
      %dma_start3A_75 = tpu.memref_slice %arg12[%dma_start3A_73, %dma_start3A_74] : memref<10240x64xf32, #tpu.memory_space<vmem_shared>> -> memref<10240x64xf32, #tpu.memory_space<vmem_shared>>
      tpu.enqueue_indirect_dma source(%arg9 : memref<128x64xf32, #tpu.memory_space<vmem>>) target(%dma_start3A_75 : memref<10240x64xf32, #tpu.memory_space<vmem_shared>>) offsets(%dma_start3A_72 : memref<128xi32, #tpu.memory_space<vmem>>) semaphore(%run_scoped3A_69 : memref<!tpu.dma_semaphore, #tpu.memory_space<semaphore_mem>>) {add = true}
      %dma_wait3A_76 = arith.constant 0 : i32
      %dma_wait3A_77 = tpu.memref_slice %arg8[%run_scoped3A, %dma_wait3A_76] : memref<79x128xi32, #tpu.memory_space<vmem>> -> memref<1x128xi32, #tpu.memory_space<vmem>>
      %dma_wait3A_78 = tpu.memref_squeeze %dma_wait3A_77 : memref<1x128xi32, #tpu.memory_space<vmem>> -> memref<128xi32, #tpu.memory_space<vmem>>
      %dma_wait3A_79 = arith.constant 0 : i32
      %dma_wait3A_80 = arith.constant 0 : i32
      %dma_wait3A_81 = tpu.memref_slice %arg12[%dma_wait3A_79, %dma_wait3A_80] : memref<10240x64xf32, #tpu.memory_space<vmem_shared>> -> memref<10240x64xf32, #tpu.memory_space<vmem_shared>>
      tpu.wait_indirect_dma semaphore(%run_scoped3A_69 : memref<!tpu.dma_semaphore, #tpu.memory_space<semaphore_mem>>) src(%arg9 : memref<128x64xf32, #tpu.memory_space<vmem>>) dst(%dma_wait3A_81 : memref<10240x64xf32, #tpu.memory_space<vmem_shared>>)
      tpu.yield
    }) : () -> ()
    %barrier3A_68 = arith.constant 0 : index
    tpu.barrier barrier_id(%barrier3A_68)
    "tpu.region"() ({
      %run_scoped3A_69 = tpu.sem_alloc : memref<!tpu.dma_semaphore, #tpu.memory_space<semaphore_mem>>
      %dma_start3A_70 = arith.constant 0 : i32
      %dma_start3A_71 = tpu.memref_slice %arg6[%arg0, %mul3A_2, %dma_start3A_70] : memref<2x10240x64xf32, #tpu.memory_space<hbm>> -> memref<1x640x64xf32, #tpu.memory_space<hbm>>
      %dma_start3A_72 = tpu.memref_squeeze %dma_start3A_71 : memref<1x640x64xf32, #tpu.memory_space<hbm>> -> memref<640x64xf32, #tpu.memory_space<hbm>>
      %dma_start3A_73 = arith.constant 0 : i32
      %dma_start3A_74 = tpu.memref_slice %arg12[%mul3A_2, %dma_start3A_73] : memref<10240x64xf32, #tpu.memory_space<vmem_shared>> -> memref<640x64xf32, #tpu.memory_space<vmem_shared>>
      tpu.enqueue_dma source(%dma_start3A_74 : memref<640x64xf32, #tpu.memory_space<vmem_shared>>) target(%dma_start3A_72 : memref<640x64xf32, #tpu.memory_space<hbm>>) target_semaphore(%run_scoped3A_69 : memref<!tpu.dma_semaphore, #tpu.memory_space<semaphore_mem>>)
      %dma_wait3A_75 = arith.constant 0 : i32
      %dma_wait3A_76 = tpu.memref_slice %arg6[%arg0, %mul3A_2, %dma_wait3A_75] : memref<2x10240x64xf32, #tpu.memory_space<hbm>> -> memref<1x640x64xf32, #tpu.memory_space<hbm>>
      %dma_wait3A_77 = tpu.memref_squeeze %dma_wait3A_76 : memref<1x640x64xf32, #tpu.memory_space<hbm>> -> memref<640x64xf32, #tpu.memory_space<hbm>>
      %dma_wait3A_78 = arith.constant 0 : i32
      %dma_wait3A_79 = tpu.memref_slice %arg12[%mul3A_2, %dma_wait3A_78] : memref<10240x64xf32, #tpu.memory_space<vmem_shared>> -> memref<640x64xf32, #tpu.memory_space<vmem_shared>>
      tpu.wait_dma2 semaphore(%run_scoped3A_69 : memref<!tpu.dma_semaphore, #tpu.memory_space<semaphore_mem>>) src(%dma_wait3A_79 : memref<640x64xf32, #tpu.memory_space<vmem_shared>>) dst(%dma_wait3A_77 : memref<640x64xf32, #tpu.memory_space<hbm>>)
      tpu.yield
    }) : () -> ()
    return
  }
}

module attributes {stable_mosaic.version = 14 : i64} {
  func.func @body(%arg0: i32, %arg1: memref<2x1000x16xf32, #tpu.memory_space<vmem>>, %arg2: memref<1000x128xf32, #tpu.memory_space<vmem>>, %arg3: memref<128x64xf32, #tpu.memory_space<vmem>>, %arg4: memref<1000x64xf32, #tpu.memory_space<vmem>>, %arg5: memref<1000x64xf32, #tpu.memory_space<vmem>>) attributes {dimension_semantics = [#tpu.dimension_semantics<arbitrary>], iteration_bounds = array<i64: 10>, scalar_prefetch = 0 : i64, scratch_operands = 0 : i64, tpu.core_type = #tpu.core_type<tc>, window_params = [{transform_indices = @transform_0, window_bounds = array<i64: 2, 1000, 16>}, {transform_indices = @transform_1, window_bounds = array<i64: 1000, 128>}, {pipeline_mode = #tpu.pipeline_mode<synchronous>, transform_indices = @transform_2, window_bounds = array<i64: 128, 64>}, {transform_indices = @transform_3, window_bounds = array<i64: 1000, 64>}, {transform_indices = @transform_4, window_bounds = array<i64: 1000, 64>}]} {
    %get3A = arith.constant 0 : index
    %get3A_0 = arith.constant 0 : index
    %get3A_1 = arith.constant 0 : index
    %get3A_2 = vector.load %arg1[%get3A, %get3A_0, %get3A_1] : memref<2x1000x16xf32, #tpu.memory_space<vmem>>, vector<2x1000x16xf32>
    %slice3A = vector.extract_strided_slice %get3A_2 {offsets = [0, 0, 0], sizes = [1, 1000, 1], strides = [1, 1, 1]} : vector<2x1000x16xf32> to vector<1x1000x1xf32>
    %squeeze3A = vector.shape_cast %slice3A : vector<1x1000x1xf32> to vector<1000x1xf32>
    %slice3A_3 = vector.extract_strided_slice %get3A_2 {offsets = [1, 0, 0], sizes = [1, 1000, 1], strides = [1, 1, 1]} : vector<2x1000x16xf32> to vector<1x1000x1xf32>
    %squeeze3A_4 = vector.shape_cast %slice3A_3 : vector<1x1000x1xf32> to vector<1000x1xf32>
    %add3A = arith.addf %squeeze3A, %squeeze3A_4 : vector<1000x1xf32>
    %add3A_5 = arith.constant 1.000000e+00 : f32
    %add3A_6 = vector.broadcast %add3A_5 : f32 to vector<1000x1xf32>
    %add3A_7 = arith.addf %add3A, %add3A_6 : vector<1000x1xf32>
    %rsqrt3A = math.rsqrt %add3A_7 : vector<1000x1xf32>
    %get3A_8 = arith.constant 0 : index
    %get3A_9 = arith.constant 0 : index
    %get3A_10 = vector.load %arg2[%get3A_8, %get3A_9] : memref<1000x128xf32, #tpu.memory_space<vmem>>, vector<1000x128xf32>
    %get3A_11 = arith.constant 0 : index
    %get3A_12 = arith.constant 0 : index
    %get3A_13 = vector.load %arg3[%get3A_11, %get3A_12] : memref<128x64xf32, #tpu.memory_space<vmem>>, vector<128x64xf32>
    %dot_general3A = arith.constant dense<0.000000e+00> : vector<1000x64xf32>
    %dot_general3A_14 = tpu.matmul %get3A_10, %get3A_13, %dot_general3A {dimension_numbers = #tpu.dot_dimension_numbers<[1], [0], [0], [1], [0, 0, 1, 1], [], []>, transpose_lhs_hint = false} : vector<1000x128xf32>, vector<128x64xf32>, vector<1000x64xf32> -> vector<1000x64xf32>
    %mul3A = vector.broadcast %rsqrt3A : vector<1000x1xf32> to vector<1000x64xf32>
    %mul3A_15 = arith.mulf %mul3A, %dot_general3A_14 : vector<1000x64xf32>
    %swap3A = arith.constant 0 : index
    %swap3A_16 = arith.constant 0 : index
    %swap3A_17 = vector.load %arg5[%swap3A, %swap3A_16] : memref<1000x64xf32, #tpu.memory_space<vmem>>, vector<1000x64xf32>
    tpu.vector_store %arg5[%swap3A, %swap3A_16], %mul3A_15 {strides = array<i32>} : memref<1000x64xf32, #tpu.memory_space<vmem>>, vector<1000x64xf32>,
    %broadcast_in_dim3A = vector.shape_cast %rsqrt3A : vector<1000x1xf32> to vector<1000x1xf32>
    %broadcast_in_dim3A_18 = vector.broadcast %broadcast_in_dim3A : vector<1000x1xf32> to vector<1000x64xf32>
    %swap3A_19 = arith.constant 0 : index
    %swap3A_20 = arith.constant 0 : index
    %swap3A_21 = vector.load %arg4[%swap3A_19, %swap3A_20] : memref<1000x64xf32, #tpu.memory_space<vmem>>, vector<1000x64xf32>
    tpu.vector_store %arg4[%swap3A_19, %swap3A_20], %broadcast_in_dim3A_18 {strides = array<i32>} : memref<1000x64xf32, #tpu.memory_space<vmem>>, vector<1000x64xf32>,
    return
  }
  func.func @transform_0(%arg0: i32) -> (i32, i32, i32) {
    %c0_i32 = arith.constant 0 : i32
    %c0_i32_0 = arith.constant 0 : i32
    %c0_i32_1 = arith.constant 0 : i32
    return %c0_i32, %arg0, %c0_i32_0 : i32, i32, i32
  }
  func.func @transform_1(%arg0: i32) -> (i32, i32) {
    %c0_i32 = arith.constant 0 : i32
    %c0_i32_0 = arith.constant 0 : i32
    return %arg0, %c0_i32 : i32, i32
  }
  func.func @transform_2(%arg0: i32) -> (i32, i32) {
    %c0_i32 = arith.constant 0 : i32
    %c0_i32_0 = arith.constant 0 : i32
    %c0_i32_1 = arith.constant 0 : i32
    return %c0_i32, %c0_i32_0 : i32, i32
  }
  func.func @transform_3(%arg0: i32) -> (i32, i32) {
    %c0_i32 = arith.constant 0 : i32
    %c0_i32_0 = arith.constant 0 : i32
    return %arg0, %c0_i32 : i32, i32
  }
  func.func @transform_4(%arg0: i32) -> (i32, i32) {
    %c0_i32 = arith.constant 0 : i32
    %c0_i32_0 = arith.constant 0 : i32
    return %arg0, %c0_i32 : i32, i32
  }
}

module attributes {stable_mosaic.version = 14 : i64} {
  func.func @body(%arg0: i32, %arg1: memref<2x1000x64xf32, #tpu.memory_space<vmem>>, %arg2: memref<1000x64xf32, #tpu.memory_space<vmem>>, %arg3: memref<1000x64xf32, #tpu.memory_space<vmem>>, %arg4: memref<1x64xf32, #tpu.memory_space<vmem>>, %arg5: memref<64x64xf32, #tpu.memory_space<vmem>>, %arg6: memref<1000x64xf32, #tpu.memory_space<vmem>>) attributes {dimension_semantics = [#tpu.dimension_semantics<arbitrary>], iteration_bounds = array<i64: 10>, scalar_prefetch = 0 : i64, scratch_operands = 0 : i64, tpu.core_type = #tpu.core_type<tc>, window_params = [{transform_indices = @transform_0, window_bounds = array<i64: 2, 1000, 64>}, {transform_indices = @transform_1, window_bounds = array<i64: 1000, 64>}, {transform_indices = @transform_2, window_bounds = array<i64: 1000, 64>}, {pipeline_mode = #tpu.pipeline_mode<synchronous>, transform_indices = @transform_3, window_bounds = array<i64: 1, 64>}, {pipeline_mode = #tpu.pipeline_mode<synchronous>, transform_indices = @transform_4, window_bounds = array<i64: 64, 64>}, {transform_indices = @transform_5, window_bounds = array<i64: 1000, 64>}]} {
    %get3A = arith.constant 0 : index
    %get3A_0 = arith.constant 0 : index
    %get3A_1 = arith.constant 0 : index
    %get3A_2 = vector.load %arg1[%get3A, %get3A_0, %get3A_1] : memref<2x1000x64xf32, #tpu.memory_space<vmem>>, vector<2x1000x64xf32>
    %get3A_3 = arith.constant 0 : index
    %get3A_4 = arith.constant 0 : index
    %get3A_5 = vector.load %arg3[%get3A_3, %get3A_4] : memref<1000x64xf32, #tpu.memory_space<vmem>>, vector<1000x64xf32>
    %slice3A = vector.extract_strided_slice %get3A_2 {offsets = [0, 0, 0], sizes = [1, 1000, 64], strides = [1, 1, 1]} : vector<2x1000x64xf32> to vector<1x1000x64xf32>
    %squeeze3A = vector.shape_cast %slice3A : vector<1x1000x64xf32> to vector<1000x64xf32>
    %slice3A_6 = vector.extract_strided_slice %get3A_2 {offsets = [1, 0, 0], sizes = [1, 1000, 64], strides = [1, 1, 1]} : vector<2x1000x64xf32> to vector<1x1000x64xf32>
    %squeeze3A_7 = vector.shape_cast %slice3A_6 : vector<1x1000x64xf32> to vector<1000x64xf32>
    %add3A = arith.addf %squeeze3A, %squeeze3A_7 : vector<1000x64xf32>
    %get3A_8 = arith.constant 0 : index
    %get3A_9 = arith.constant 0 : index
    %get3A_10 = vector.load %arg2[%get3A_8, %get3A_9] : memref<1000x64xf32, #tpu.memory_space<vmem>>, vector<1000x64xf32>
    %add3A_11 = arith.addf %add3A, %get3A_10 : vector<1000x64xf32>
    %mul3A = arith.mulf %get3A_5, %add3A_11 : vector<1000x64xf32>
    %get3A_12 = arith.constant 0 : index
    %get3A_13 = arith.constant 0 : index
    %get3A_14 = vector.load %arg4[%get3A_12, %get3A_13] : memref<1x64xf32, #tpu.memory_space<vmem>>, vector<1x64xf32>
    %add3A_15 = vector.broadcast %get3A_14 : vector<1x64xf32> to vector<1000x64xf32>
    %add3A_16 = arith.addf %mul3A, %add3A_15 : vector<1000x64xf32>
    %max3A = arith.constant 0.000000e+00 : f32
    %max3A_17 = vector.broadcast %max3A : f32 to vector<1000x64xf32>
    %max3A_18 = arith.maximumf %add3A_16, %max3A_17 : vector<1000x64xf32>
    %get3A_19 = arith.constant 0 : index
    %get3A_20 = arith.constant 0 : index
    %get3A_21 = vector.load %arg5[%get3A_19, %get3A_20] : memref<64x64xf32, #tpu.memory_space<vmem>>, vector<64x64xf32>
    %dot_general3A = arith.constant dense<0.000000e+00> : vector<1000x64xf32>
    %dot_general3A_22 = tpu.matmul %max3A_18, %get3A_21, %dot_general3A {dimension_numbers = #tpu.dot_dimension_numbers<[1], [0], [0], [1], [0, 0, 1, 1], [], []>, transpose_lhs_hint = false} : vector<1000x64xf32>, vector<64x64xf32>, vector<1000x64xf32> -> vector<1000x64xf32>
    %mul3A_23 = arith.mulf %get3A_5, %dot_general3A_22 : vector<1000x64xf32>
    %swap3A = arith.constant 0 : index
    %swap3A_24 = arith.constant 0 : index
    %swap3A_25 = vector.load %arg6[%swap3A, %swap3A_24] : memref<1000x64xf32, #tpu.memory_space<vmem>>, vector<1000x64xf32>
    tpu.vector_store %arg6[%swap3A, %swap3A_24], %mul3A_23 {strides = array<i32>} : memref<1000x64xf32, #tpu.memory_space<vmem>>, vector<1000x64xf32>,
    return
  }
  func.func @transform_0(%arg0: i32) -> (i32, i32, i32) {
    %c0_i32 = arith.constant 0 : i32
    %c0_i32_0 = arith.constant 0 : i32
    %c0_i32_1 = arith.constant 0 : i32
    return %c0_i32, %arg0, %c0_i32_0 : i32, i32, i32
  }
  func.func @transform_1(%arg0: i32) -> (i32, i32) {
    %c0_i32 = arith.constant 0 : i32
    %c0_i32_0 = arith.constant 0 : i32
    return %arg0, %c0_i32 : i32, i32
  }
  func.func @transform_2(%arg0: i32) -> (i32, i32) {
    %c0_i32 = arith.constant 0 : i32
    %c0_i32_0 = arith.constant 0 : i32
    return %arg0, %c0_i32 : i32, i32
  }
  func.func @transform_3(%arg0: i32) -> (i32, i32) {
    %c0_i32 = arith.constant 0 : i32
    %c0_i32_0 = arith.constant 0 : i32
    %c0_i32_1 = arith.constant 0 : i32
    return %c0_i32, %c0_i32_0 : i32, i32
  }
  func.func @transform_4(%arg0: i32) -> (i32, i32) {
    %c0_i32 = arith.constant 0 : i32
    %c0_i32_0 = arith.constant 0 : i32
    %c0_i32_1 = arith.constant 0 : i32
    return %c0_i32, %c0_i32_0 : i32, i32
  }
  func.func @transform_5(%arg0: i32) -> (i32, i32) {
    %c0_i32 = arith.constant 0 : i32
    %c0_i32_0 = arith.constant 0 : i32
    return %arg0, %c0_i32 : i32, i32
  }
}

module attributes {stable_mosaic.version = 14 : i64} {
  func.func @body(%arg0: i32, %arg1: memref<2x1000x64xf32, #tpu.memory_space<vmem>>, %arg2: memref<1000x64xf32, #tpu.memory_space<vmem>>, %arg3: memref<1000x64xf32, #tpu.memory_space<vmem>>, %arg4: memref<1x64xf32, #tpu.memory_space<vmem>>, %arg5: memref<64x1xf32, #tpu.memory_space<vmem>>, %arg6: memref<1x1xf32, #tpu.memory_space<vmem>>, %arg7: memref<1x1xf32, #tpu.memory_space<vmem>>, %arg8: memref<1x64xf32, #tpu.memory_space<vmem>>) attributes {dimension_semantics = [#tpu.dimension_semantics<arbitrary>], iteration_bounds = array<i64: 10>, scalar_prefetch = 0 : i64, scratch_operands = 1 : i64, tpu.core_type = #tpu.core_type<tc>, window_params = [{transform_indices = @transform_0, window_bounds = array<i64: 2, 1000, 64>}, {transform_indices = @transform_1, window_bounds = array<i64: 1000, 64>}, {transform_indices = @transform_2, window_bounds = array<i64: 1000, 64>}, {pipeline_mode = #tpu.pipeline_mode<synchronous>, transform_indices = @transform_3, window_bounds = array<i64: 1, 64>}, {pipeline_mode = #tpu.pipeline_mode<synchronous>, transform_indices = @transform_4, window_bounds = array<i64: 64, 1>}, {pipeline_mode = #tpu.pipeline_mode<synchronous>, transform_indices = @transform_5, window_bounds = array<i64: 1, 1>}, {pipeline_mode = #tpu.pipeline_mode<synchronous>, transform_indices = @transform_6, window_bounds = array<i64: 1, 1>}]} {
    %get3A = arith.constant 0 : index
    %get3A_0 = arith.constant 0 : index
    %get3A_1 = arith.constant 0 : index
    %get3A_2 = vector.load %arg1[%get3A, %get3A_0, %get3A_1] : memref<2x1000x64xf32, #tpu.memory_space<vmem>>, vector<2x1000x64xf32>
    %get3A_3 = arith.constant 0 : index
    %get3A_4 = arith.constant 0 : index
    %get3A_5 = vector.load %arg3[%get3A_3, %get3A_4] : memref<1000x64xf32, #tpu.memory_space<vmem>>, vector<1000x64xf32>
    %slice3A = vector.extract_strided_slice %get3A_2 {offsets = [0, 0, 0], sizes = [1, 1000, 64], strides = [1, 1, 1]} : vector<2x1000x64xf32> to vector<1x1000x64xf32>
    %squeeze3A = vector.shape_cast %slice3A : vector<1x1000x64xf32> to vector<1000x64xf32>
    %slice3A_6 = vector.extract_strided_slice %get3A_2 {offsets = [1, 0, 0], sizes = [1, 1000, 64], strides = [1, 1, 1]} : vector<2x1000x64xf32> to vector<1x1000x64xf32>
    %squeeze3A_7 = vector.shape_cast %slice3A_6 : vector<1x1000x64xf32> to vector<1000x64xf32>
    %add3A = arith.addf %squeeze3A, %squeeze3A_7 : vector<1000x64xf32>
    %get3A_8 = arith.constant 0 : index
    %get3A_9 = arith.constant 0 : index
    %get3A_10 = vector.load %arg2[%get3A_8, %get3A_9] : memref<1000x64xf32, #tpu.memory_space<vmem>>, vector<1000x64xf32>
    %add3A_11 = arith.addf %add3A, %get3A_10 : vector<1000x64xf32>
    %mul3A = arith.mulf %get3A_5, %add3A_11 : vector<1000x64xf32>
    %get3A_12 = arith.constant 0 : index
    %get3A_13 = arith.constant 0 : index
    %get3A_14 = vector.load %arg4[%get3A_12, %get3A_13] : memref<1x64xf32, #tpu.memory_space<vmem>>, vector<1x64xf32>
    %add3A_15 = vector.broadcast %get3A_14 : vector<1x64xf32> to vector<1000x64xf32>
    %add3A_16 = arith.addf %mul3A, %add3A_15 : vector<1000x64xf32>
    %reduce_sum3A = arith.constant dense<0.000000e+00> : vector<64xf32>
    %reduce_sum3A_17 = vector.multi_reduction <add>, %add3A_16, %reduce_sum3A [0] : vector<1000x64xf32> to vector<64xf32>
    %broadcast_in_dim3A = vector.shape_cast %reduce_sum3A_17 : vector<64xf32> to vector<1x64xf32>
    %eq3A = arith.constant 0 : i32
    %eq3A_18 = arith.cmpi eq, %arg0, %eq3A : i32
    %convert_element_type3A = arith.extui %eq3A_18 : i1 to i32
    %cond3A = arith.constant 0 : i32
    %cond3A_19 = arith.cmpi ne, %convert_element_type3A, %cond3A : i32
    scf.if %cond3A_19 {
      %swap3A = arith.constant 0 : index
      %swap3A_29 = arith.constant 0 : index
      %swap3A_30 = vector.load %arg8[%swap3A, %swap3A_29] : memref<1x64xf32, #tpu.memory_space<vmem>>, vector<1x64xf32>
      tpu.vector_store %arg8[%swap3A, %swap3A_29], %broadcast_in_dim3A {strides = array<i32>} : memref<1x64xf32, #tpu.memory_space<vmem>>, vector<1x64xf32>,
    } else {
    }
    %gt3A = arith.constant 0 : i32
    %gt3A_20 = arith.cmpi sgt, %arg0, %gt3A : i32
    %convert_element_type3A_21 = arith.extui %gt3A_20 : i1 to i32
    %cond3A_22 = arith.constant 0 : i32
    %cond3A_23 = arith.cmpi ne, %convert_element_type3A_21, %cond3A_22 : i32
    scf.if %cond3A_23 {
      %get3A_29 = arith.constant 0 : index
      %get3A_30 = arith.constant 0 : index
      %get3A_31 = vector.load %arg8[%get3A_29, %get3A_30] : memref<1x64xf32, #tpu.memory_space<vmem>>, vector<1x64xf32>
      %add3A_32 = arith.addf %get3A_31, %broadcast_in_dim3A : vector<1x64xf32>
      %swap3A = arith.constant 0 : index
      %swap3A_33 = arith.constant 0 : index
      %swap3A_34 = vector.load %arg8[%swap3A, %swap3A_33] : memref<1x64xf32, #tpu.memory_space<vmem>>, vector<1x64xf32>
      tpu.vector_store %arg8[%swap3A, %swap3A_33], %add3A_32 {strides = array<i32>} : memref<1x64xf32, #tpu.memory_space<vmem>>, vector<1x64xf32>,
    } else {
    }
    %eq3A_24 = arith.constant 9 : i32
    %eq3A_25 = arith.cmpi eq, %arg0, %eq3A_24 : i32
    %convert_element_type3A_26 = arith.extui %eq3A_25 : i1 to i32
    %cond3A_27 = arith.constant 0 : i32
    %cond3A_28 = arith.cmpi ne, %convert_element_type3A_26, %cond3A_27 : i32
    scf.if %cond3A_28 {
      %get3A_29 = arith.constant 0 : index
      %get3A_30 = arith.constant 0 : index
      %get3A_31 = vector.load %arg8[%get3A_29, %get3A_30] : memref<1x64xf32, #tpu.memory_space<vmem>>, vector<1x64xf32>
      %mul3A_32 = arith.constant 9.99999974E-5 : f32
      %mul3A_33 = vector.broadcast %mul3A_32 : f32 to vector<1x64xf32>
      %mul3A_34 = arith.mulf %get3A_31, %mul3A_33 : vector<1x64xf32>
      %get3A_35 = arith.constant 0 : index
      %get3A_36 = arith.constant 0 : index
      %get3A_37 = vector.load %arg5[%get3A_35, %get3A_36] : memref<64x1xf32, #tpu.memory_space<vmem>>, vector<64x1xf32>
      %dot_general3A = arith.constant dense<0.000000e+00> : vector<1x1xf32>
      %dot_general3A_38 = tpu.matmul %mul3A_34, %get3A_37, %dot_general3A {dimension_numbers = #tpu.dot_dimension_numbers<[1], [0], [0], [1], [0, 0, 1, 1], [], []>, transpose_lhs_hint = false} : vector<1x64xf32>, vector<64x1xf32>, vector<1x1xf32> -> vector<1x1xf32>
      %get3A_39 = arith.constant 0 : index
      %get3A_40 = arith.constant 0 : index
      %get3A_41 = vector.load %arg6[%get3A_39, %get3A_40] : memref<1x1xf32, #tpu.memory_space<vmem>>, vector<1x1xf32>
      %add3A_42 = arith.addf %dot_general3A_38, %get3A_41 : vector<1x1xf32>
      %swap3A = arith.constant 0 : index
      %swap3A_43 = arith.constant 0 : index
      %swap3A_44 = vector.load %arg7[%swap3A, %swap3A_43] : memref<1x1xf32, #tpu.memory_space<vmem>>, vector<1x1xf32>
      tpu.vector_store %arg7[%swap3A, %swap3A_43], %add3A_42 {strides = array<i32>} : memref<1x1xf32, #tpu.memory_space<vmem>>, vector<1x1xf32>,
    } else {
    }
    return
  }
  func.func @transform_0(%arg0: i32) -> (i32, i32, i32) {
    %c0_i32 = arith.constant 0 : i32
    %c0_i32_0 = arith.constant 0 : i32
    %c0_i32_1 = arith.constant 0 : i32
    return %c0_i32, %arg0, %c0_i32_0 : i32, i32, i32
  }
  func.func @transform_1(%arg0: i32) -> (i32, i32) {
    %c0_i32 = arith.constant 0 : i32
    %c0_i32_0 = arith.constant 0 : i32
    return %arg0, %c0_i32 : i32, i32
  }
  func.func @transform_2(%arg0: i32) -> (i32, i32) {
    %c0_i32 = arith.constant 0 : i32
    %c0_i32_0 = arith.constant 0 : i32
    return %arg0, %c0_i32 : i32, i32
  }
  func.func @transform_3(%arg0: i32) -> (i32, i32) {
    %c0_i32 = arith.constant 0 : i32
    %c0_i32_0 = arith.constant 0 : i32
    %c0_i32_1 = arith.constant 0 : i32
    return %c0_i32, %c0_i32_0 : i32, i32
  }
  func.func @transform_4(%arg0: i32) -> (i32, i32) {
    %c0_i32 = arith.constant 0 : i32
    %c0_i32_0 = arith.constant 0 : i32
    %c0_i32_1 = arith.constant 0 : i32
    return %c0_i32, %c0_i32_0 : i32, i32
  }
  func.func @transform_5(%arg0: i32) -> (i32, i32) {
    %c0_i32 = arith.constant 0 : i32
    %c0_i32_0 = arith.constant 0 : i32
    %c0_i32_1 = arith.constant 0 : i32
    return %c0_i32, %c0_i32_0 : i32, i32
  }
  func.func @transform_6(%arg0: i32) -> (i32, i32) {
    %c0_i32 = arith.constant 0 : i32
    %c0_i32_0 = arith.constant 0 : i32
    %c0_i32_1 = arith.constant 0 : i32
    return %c0_i32, %c0_i32_0 : i32, i32
  }
}

</mosaic_0001>

<sc_bundles>
// kernel: kernel.10.cloned.1.call-start
scs
__scs_entry_jumppad:
0x0: {  	(pc) =	sbr.rel $0x88, $3  }
0x1: {  	(tag) =	ssettag $0x0;
	lr =	simm.s32 $0x1  }
0x2: {  	[smem:$0x3F97] =	sst lr;
	_ =	strace $0xD0000000  }
0x3: {  	_ = 	snop  }
0x4: {  	_ = 	snop  }
0x5: {  	_ = 	snop  }
0x6: {  	_ = 	snop  }
0x7: {  	_ = 	snop  }
__scs_overlays_trampoline_lowered:
0x8: {  	[smem:$0x3FA6] =	sst s0  }
0x9: {  	[smem:$0x3FA7] =	sst s1  }
0xa: {  	[smem:$0x3FA8] =	sst s2  }
0xb: {  	[smem:$0x3FA9] =	sst s3  }
0xc: {  	[smem:$0x3FAA] =	sst s4  }
0xd: {  	[smem:$0x3FAB] =	sst s5  }
0xe: {  	[smem:$0x3FAC] =	sst s6  }
0xf: {  	[smem:$0x3FAD] =	sst s7  }
0x10: {  	[smem:$0x3FAE] =	sst s8  }
0x11: {  	[smem:$0x3FAF] =	sst s9;
	s0 =	simm.s32 @!p0 $0x0  }
0x12: {  	s1 =	sld [smem:$0x3F95];
	s0 =	simm.s32 @p0 $0x1  }
0x13: {  	[smem:$0x3FB0] =	sst s0;
	s0 =	simm.s32 @!p1 $0x0  }
0x14: {  	s2 =	sld [smem:$0x3F94];
	s0 =	simm.s32 @p1 $0x1  }
0x15: {  	[smem:$0x3FB1] =	sst s0;
	s0 =	simm.s32 @!p2 $0x0  }
0x16: {  	s3 =	sld [smem:$0x3FDB];
	s0 =	simm.s32 @p2 $0x1  }
0x17: {  	s4 =	simm.s32 $0x1BF5;
	[smem:$0x3FB3] =	sst s0  }
0x18: {  	s0 =	sld [smem:$0x3F96];
	_ =	swait.ge [sflag:s4], $0x0  }
0x19: {  	s7 =	sld [smem:$0x3F97]  }
0x1a: {  	s8 =	sadd.s32 $0xFFFFE003, lr  }
0x1b: {  	s9 =	sadd.s32 $0xFFFFFEF7, lr;
	s5 =	simm.s32 $0xFFFFFFFF;
	p2 =	slt.u32 s8, $0xFFFFF086  }
0x1c: {  	p1 =	slt.u32 s9, $0xF7A;
	s5 =	simm.s32 @!p2 $0x0  }
0x1d: {  	s5 =	simm.s32 @p1 $0x1;
	p0 =	seq.s32 s7, s2  }
0x1e: {  	s7 =	smul.u32 @!p0 $0xF7A, s2;
	p2 =	seq.s32 @!p0 s5, $0x0  }
0x1f: {  	s9 =	smul.u32 $0xF7A, s1;
	s8 =	simm.s32 @!p0 $0x1BF5;
	p2 =	por !p2, p0  }
0x20: {  	[sflag:s8] =	ssyncset.s32 @!p0 $0xFFFFF086;
	s6 =	sadd.s32 @!p0 s3, s7;
	s7 =	simm.s32 @!p0 $0x108  }
0x21: {  	s3 =	sadd.s32 s3, s9;
	s6 =	sadd.s32 @!p0 $0x88, s6;
	s7 =	simm.s32 @p2 $0x1082  }
0x22: {  	[simem:s7], [sflag:s8] =	dma.local @!p0 [hbm:s6], $0xF7A  }
0x23: {  	s9 =	sor.u32 $0xD0000000, s2;
	s6 =	simm.s32 $0x108;
	_ =	swait.ge @!p0 [sflag:s8], $0x0  }
0x24: {  	s3 =	sadd.s32 $0x88, s3;
	s6 =	simm.s32 @!p1 $0x1082;
	[sflag:s4] =	ssyncset.s32 $0xFFFFF086  }
0x25: {  	[simem:s6], [sflag:s4] =	dma.local [hbm:s3], $0xF7A  }
0x26: {  	[smem:$0x3F97] =	sst s1;
	(tag) =	ssettag s2;
	_ =	strace s9  }
0x27: {  	s1 =	sld [smem:$0x3FA7]  }
0x28: {  	s2 =	sld [smem:$0x3FA8]  }
0x29: {  	s4 =	sld [smem:$0x3FAA]  }
0x2a: {  	p0 =	seq.s32 s5, $0x0;
	s5 =	sld [smem:$0x3FAB]  }
0x2b: {  	s6 =	sld [smem:$0x3FAC]  }
0x2c: {  	s7 =	sld [smem:$0x3FAD]  }
0x2d: {  	s3 =	simm.s32 $0x108;
	s8 =	sld [smem:$0x3FAE]  }
0x2e: {  	s3 =	simm.s32 @!p0 $0x1082;
	s9 =	sld [smem:$0x3FAF]  }
0x2f: {  	lr =	sadd.s32 s0, s3;
	s0 =	sld [smem:$0x3FA6]  }
0x30: {  	s3 =	sld [smem:$0x3FA9]  }
0x31: {  	[smem:$0x3FB2] =	sst s10  }
0x32: {  	s10 =	sld [smem:$0x3FB0];
	_ =	sdelay $0x3  }
0x33: {  	p0 =	seq.s32 s10, $0x1;
	s10 =	sld [smem:$0x3FB2];
	_ =	sdelay $0x3  }
0x34: {  	[smem:$0x3FB2] =	sst s10  }
0x35: {  	s10 =	sld [smem:$0x3FB1];
	_ =	sdelay $0x3  }
0x36: {  	p1 =	seq.s32 s10, $0x1;
	s10 =	sld [smem:$0x3FB2];
	_ =	sdelay $0x3  }
0x37: {  	[smem:$0x3FB2] =	sst s10  }
0x38: {  	s10 =	sld [smem:$0x3FB3]  }
0x39: {  	_ = 	snop;
	(pc) =	sbr.ind lr, $3  }
0x3a: {  	_ = 	snop  }
0x3b: {  	_ = 	snop  }
0x3c: {  	p2 =	seq.s32 s10, $0x1;
	s10 =	sld [smem:$0x3FB2]  }
0x3d: {  	_ =	shalt  }
0x3e: {  	_ =	shalt  }
0x3f: {  	_ =	shalt  }
0x40: {  	_ =	shalt  }
0x41: {  	_ =	shalt  }
0x42: {  	_ =	shalt  }
0x43: {  	_ =	shalt  }
0x44: {  	_ =	shalt  }
0x45: {  	_ =	shalt  }
0x46: {  	_ =	shalt  }
0x47: {  	_ =	shalt  }
0x48: {  	_ =	shalt  }
0x49: {  	_ =	shalt  }
0x4a: {  	_ =	shalt  }
0x4b: {  	_ =	shalt  }
0x4c: {  	_ =	shalt  }
0x4d: {  	_ =	shalt  }
0x4e: {  	_ =	shalt  }
0x4f: {  	_ =	shalt  }
0x50: {  	_ =	shalt  }
0x51: {  	_ =	shalt  }
0x52: {  	_ =	shalt  }
0x53: {  	_ =	shalt  }
0x54: {  	_ =	shalt  }
0x55: {  	_ =	shalt  }
0x56: {  	_ =	shalt  }
0x57: {  	_ =	shalt  }
0x58: {  	_ =	shalt  }
0x59: {  	_ =	shalt  }
0x5a: {  	_ =	shalt  }
0x5b: {  	_ =	shalt  }
0x5c: {  	_ =	shalt  }
0x5d: {  	_ =	shalt  }
0x5e: {  	_ =	shalt  }
0x5f: {  	_ =	shalt  }
0x60: {  	_ =	shalt  }
0x61: {  	_ =	shalt  }
0x62: {  	_ =	shalt  }
0x63: {  	_ =	shalt  }
0x64: {  	_ =	shalt  }
0x65: {  	_ =	shalt  }
0x66: {  	_ =	shalt  }
0x67: {  	_ =	shalt  }
0x68: {  	_ =	shalt  }
0x69: {  	_ =	shalt  }
0x6a: {  	_ =	shalt  }
0x6b: {  	_ =	shalt  }
0x6c: {  	_ =	shalt  }
0x6d: {  	_ =	shalt  }
0x6e: {  	_ =	shalt  }
0x6f: {  	_ =	shalt  }
0x70: {  	_ =	shalt  }
0x71: {  	_ =	shalt  }
0x72: {  	_ =	shalt  }
0x73: {  	_ =	shalt  }
0x74: {  	_ =	shalt  }
0x75: {  	_ =	shalt  }
0x76: {  	_ =	shalt  }
0x77: {  	_ =	shalt  }
0x78: {  	_ =	shalt  }
0x79: {  	_ =	shalt  }
0x7a: {  	_ =	shalt  }
0x7b: {  	_ =	shalt  }
0x7c: {  	_ =	shalt  }
0x7d: {  	_ =	shalt  }
0x7e: {  	_ =	shalt  }
0x7f: {  	_ =	shalt  }
0x80: {  	_ =	shalt  }
0x81: {  	_ =	shalt  }
0x82: {  	_ =	shalt  }
0x83: {  	_ =	shalt  }
0x84: {  	_ =	shalt  }
0x85: {  	_ =	shalt  }
0x86: {  	_ =	shalt  }
0x87: {  	_ =	shalt  }
.Lfunc_end0:
.L_simem_size_0:
called_computation_lowered:
.L_overlay_start_0:
0x88: {  	s2 =	sld [smem:$0x3FD9]  }
0x89: {  	s3 =	sld [smem:$0x3FFE];
	_ =	sdelay $0x1  }
0x8a: {  	s1 =	srdreg.scid  }
0x8b: {  	s0 =	sand.u32 $0x1, s1  }
0x8c: {  	s16 =	sshll.u32 s0, $0xA;
	s2 =	sadd.s32 s3, s2  }
0x8d: {  	s2 =	sadd.s32 s2, s16  }
0x8e: {  	[smem:$0x3FBE] =	sst s2  }
0x8f: {  	_ = 	snop  }
0x90: {  	(tm) =	ssettm $0x1  }
0x91: {  	s17 =	sld [smem:$0x3FFB];
	_ =	sdelay $0x3  }
0x92: {  	_ =	strace s17  }
0x93: {  	s2 =	sld [smem:$0x3FFC];
	_ =	sdelay $0x3  }
0x94: {  	_ =	strace s2  }
0x95: {  	s2 =	sld [smem:$0x3FFD];
	_ =	sdelay $0x3  }
0x96: {  	_ =	strace s2  }
0x97: {  	_ =	strace $0x8FFFFFFF  }
0x98: {  	s18 =	sld [smem:$0x3FDB];
	_ =	sdelay $0x1  }
0x99: {  	s19 =	simm.s32 $_scs_section_size  }
0x9a: {  	s4 =	simm.s32 $_size__tile_overlayer_lowered;
	s5 =	simm.s32 $_tile_overlayer_lowered  }
0x9b: {  	s22 =	simm.s32 $0x1BFF;
	s21 =	sshll.u32 s5, $0x1;
	s2 =	sadd.s32 s19, s18  }
0x9c: {  	s6 =	simm.s32 $0x0;
	s20 =	sshll.u32 s4, $0x1;
	s4 =	sadd.s32 s21, s2  }
0x9d: {  	[timem:s6], [sflag:s22] =	dma.local [hbm:s4], s20  }
0x9e: {  	_ =	swait.ge [sflag:s22], s20  }
0x9f: {  	s3 =	ssub.s32 $0x0, s20;
	[sflag:s22] =	ssyncset.done $0x0  }
0xa0: {  	[sflag:s22] =	ssyncadd.s32 s3;
	_ =	sdelay $0x1  }
0xa1: {  	s23 =	simm.s32 $0x1B8B  }
0xa2: {  	_ =	swait.ge [sflag:s23], $0x1  }
0xa3: {  	[sflag:s23] =	ssyncset.done $0x0  }
0xa4: {  	s25 =	simm.s32 $0x1B8E;
	s24 =	sld [smem:$0x3FFE];
	[sflag:s23] =	ssyncadd.s32 $0xFFFFFFFF  }
0xa5: {  	s26 =	simm.s32 $execute0_lowered;
	[smem:$0x3FD2] =	sst s25  }
0xa6: {  	s4 =	sshll.u32 s26, $0x1;
	_ =	strace $0x80000046;
	[dreg:$0x1] =	wrdreg $0xFFFFFFFF  }
0xa7: {  	s28 =	simm.s32 $_size_execute0_lowered;
	s2 =	sadd.s32 s2, s4;
	[dreg:$0x0] =	wrdreg $0x0  }
0xa8: {  	s4 =	sshll.u32 s28, $0x1;
	[dreg:$0x2] =	wrdreg s2  }
0xa9: {  	[dreg:$0x3] =	wrdreg s4  }
0xaa: {  	[dreg:$0x4] =	wrdreg $0xC0  }
0xab: {  	_ =	task [dreg:s6], $0x5FFFF  }
0xac: {  	[dreg:$0x1] =	wrdreg $0xFFFFFFFF  }
0xad: {  	[dreg:$0x0] =	wrdreg $0x60  }
0xae: {  	[dreg:$0x2] =	wrdreg s24  }
0xaf: {  	[dreg:$0x3] =	wrdreg $0x2F800  }
0xb0: {  	[dreg:$0x4] =	wrdreg $0x9  }
0xb1: {  	_ =	task.clear_ibuf [dreg:s6], $0x5FFFF;
	_ =	strace $0x90000046  }
0xb2: {  	s29 =	simm.s32 $0x9;
	_ =	strace $0x80000048  }
0xb3: {  	_ =	swait.ge [sflag:s29], $0x1  }
0xb4: {  	[sflag:s29] =	ssyncadd.s32 $0xFFFFFFFF  }
0xb5: {  	_ =	strace $0x90000048  }
0xb6: {  	_ =	sfence  }
0xb7: {  	s30 =	sld [smem:$0x0];
	_ =	sdelay $0x2  }
0xb8: {  	s31 =	sshll.u32 s1, $0xD;
	s1 =	sshrl.u32 s1, $0x2  }
0xb9: {  	s3 =	sand.u32 $0x4000, s31;
	s1 =	sadd.s32 s1, s30  }
0xba: {  	s0 =	sor.u32 s3, s0;
	s1 =	sshll.u32 s1, $0x11  }
0xbb: {  	s0 =	sor.u32 s1, s0  }
0xbc: {  	s0 =	sadd.s32 $0x8F2B, s0  }
0xbd: {  	[sflag:s0] =	ssyncadd.remote.s32 $0x1  }
0xbe: {  	_ =	sfence.sel $0xFFFF  }
0xbf: {  	[dreg:$0x0] =	wrdreg $0xFFFFFFFF;
	(pc) =	sbr.abs _section_cstart, $3  }
0xc0: {  	[dreg:$0x1] =	wrdreg $0xFFFFFFFF  }
0xc1: {  	_ =	task.clear_ibuf [dreg:s6], $0x2FFFF;
	_ =	strace $0x9FFFFFFF  }
0xc2: {  	(tm) =	ssettm $0x7FFFFFFF  }
0xc3: {  	_ =	shalt  }
tec
execute0_lowered:
.L_overlay_start_1:
0x0: {  	(tag) =	ssettag $0x1  }
0x1: {  	s1 =	srdreg.scid  }
0x2: {  	s0 =	stileid.u32;
	s6 =	rddreg [dreg:$0x0]  }
0x3: {  	s2 =	rddreg [dreg:$0x1];
	s3 =	simm.s32 $0x0;
	s13 =	simm.s32 $0x80  }
0x4: {  	s14 =	simm.s32 $0x0;
	s5 =	sand.u32 $0x1, s1;
	s30 =	sshll.u32 s0, $0x1  }
0x5: {  	s7 =	smul.u32 $0x2800, s0;
	[smem:$0x7FF] =	sst s3;
	s31 =	sshll.u32 s0, $0x6  }
0x6: {  	s1 =	sor.u32 s5, s30;
	s8 =	smul.u32 $0x28000, s5;
	s5 =	ssub.s32 $0x2, s5  }
0x7: {  	s4 =	smul.u32 $0x4F0, s1;
	s1 =	rddreg [dreg:$0x2];
	_ =	strace $0x80000047  }
0x8: {  	s10 =	sshrl.u32 s7, $0x3;
	s11 =	sshrl.u32 s5, $0x1;
	s12 =	sadd.s32 s7, s2  }
0x9: {  	s8 =	sadd.s32 s7, s8;
	s10 =	sadd.s32 s10, s6;
	s11 =	ssub.s32 s5, s11  }
0xa: {  	s9 =	sadd.s32 s4, s6;
	s4 =	sadd.s32 $0x10E00, s6;
	s8 =	sshrl.u32 s8, $0x3  }
0xb: {  	s5 =	sadd.s32 $0xBE00, s10;
	s10 =	sshrl.u32 s12, $0x3;
	s12 =	simm.s32 $0x2780  }
0xc: {  	s8 =	sadd.s32 s8, s6;
	s6 =	sor.u32 $0x1C01, s31;
	s7 =	sadd.s32 $0x2000, s9  }
0xd: {  	s9 =	smax.u32 s11, $0x1;
	s11 =	simm.s32 $0x1;
	s8 =	sadd.s32 $0x11000, s8  }
.LBB2_1:
0xe: {  	[spmem:s10], [sflag:s6] =	dma.local [hbm:s5], $0x500  }
0xf: {  	_ =	swait.ge [sflag:s11], $0x500  }
0x10: {  	[sflag:s11] =	ssyncset.done $0x0  }
0x11: {  	[sflag:s11] =	ssyncadd.s32 $0xFFFFFB00  }
0x12: {  	[tilespmem:s12], [sflag:$0x1] =	stream.linear.gather [hbm4b:s4+s3], $0x800, $0x38;
	[tilespmem:$0x5780] =	vst v63  }
0x13: {  	_ =	swait.ge [sflag:s11], $0x800  }
0x14: {  	[sflag:s11] =	ssyncset.done $0x0  }
0x15: {  	[sflag:s11] =	ssyncadd.s32 $0xFFFFF800  }
0x16: {  	[tilespmem:s3], [sflag:$0x1] =	stream.linear.gather [hbm4b:s7+s3], $0x2780, $0x38;
	[tilespmem:$0x5780] =	vst v63  }
0x17: {  	_ =	swait.ge [sflag:s11], $0x2780  }
0x18: {  	[sflag:s11] =	ssyncset.done $0x0  }
0x19: {  	[sflag:s11] =	ssyncadd.s32 $0xFFFFD880  }
0x1a: {  	s15 =	simm.s32 $0x0;
	[bflag:$0x0] =	sbarrier.arrive $0xFFFF  }
0x1b: {  	[spmem:s2] =	stream.indirect.scatter.add.f32 [tilespmem:s12], [sflag:$0x1], $0x10, s15, s13, $0xb8;
	[tilespmem:$0x5780] =	vst v63  }
0x1c: {  	_ =	swait.ge [sflag:s11], $0x800  }
0x1d: {  	s15 =	simm.s32 $0x200;
	[sflag:s11] =	ssyncset.done $0x0  }
.LBB2_2:
0x1e: {  	s16 =	sshra.s32 s15, $0x2;
	[sflag:s11] =	ssyncadd.s32 $0xFFFFF800;
	p0 =	sne.s32 s15, $0x9C00  }
0x1f: {  	[spmem:s2] =	stream.indirect.scatter.add.f32 [tilespmem:s12], [sflag:$0x1], $0x10, s16, s13, $0xb8;
	[tilespmem:$0x5780] =	vst v63  }
.Ltmp0:
0x20: {  	_ = 	snop;
	(pc) =	sbr.rel @p0 .LBB2_2-.Ltmp0, $4  }
0x21: {  	_ = 	snop  }
0x22: {  	s15 =	sadd.s32 $0x200, s15  }
0x23: {  	_ =	swait.ge [sflag:s11], $0x800  }
0x24: {  	[sflag:s11] =	ssyncset.done $0x0  }
0x25: {  	s14 =	sadd.s32 $0x1, s14  }
0x26: {  	[sflag:s11] =	ssyncadd.s32 $0xFFFFF800;
	p0 =	sne.s32 s14, s9  }
.Ltmp1:
0x27: {  	[bflag:$0x0] =	sbarrier.arrive $0xFFFF;
	(pc) =	sbr.rel @p0 .LBB2_1-.Ltmp1, $4  }
0x28: {  	[hbm:s8], [sflag:s6] =	dma.local [spmem:s10], $0x500  }
0x29: {  	_ =	swait.ge [sflag:s11], $0x500  }
0x2a: {  	[sflag:s11] =	ssyncset.done $0x0  }
0x2b: {  	[sflag:s11] =	ssyncadd.s32 $0xFFFFFB00  }
0x2c: {  	_ =	sfence.sel $0x180000  }
0x2d: {  	[bflag:$0x0] =	sbarrier.arrive $0xFFFF  }
0x2e: {  	p0 =	sne.s32 s0, $0x0;
	_ =	strace $0x90000047  }
0x2f: {  	s0 =	sadd.s32 @!p0 $0x100000, s1;
	[bflag:$0x2] =	sbarrier.arrive $0xFFFF  }
0x30: {  	[sflag:s0] =	ssyncadd.tile.s32 @!p0 $0x1;
	_ =	shalt  }
.Lfunc_end2:
_tile_overlayer_lowered:
.L_overlay_start_2:
0x31: {  	(tag) =	ssettag $0x2  }
0x32: {  	s0 =	rddreg [dreg:$0x0];
	s2 =	stileid.u32  }
0x33: {  	s1 =	rddreg [dreg:$0x1];
	p0 =	sne.s32 s2, $0x0  }
0x34: {  	s3 =	rddreg [dreg:$0x2];
	[bflag:$0x3] =	sbarrier.arrive $0xFFFF;
	s2 =	simm.s32 @!p0 $0x1C01  }
0x35: {  	[timem:s3], [sflag:s2] =	dma.local @!p0 [hbm:s0], s1  }
0x36: {  	s0 =	simm.s32 @!p0 $0x1  }
0x37: {  	_ =	swait.ge @!p0 [sflag:s0], s1  }
0x38: {  	s1 =	ssub.s32 @!p0 $0x0, s1;
	[sflag:s0] =	ssyncset.done @!p0 $0x0  }
0x39: {  	[sflag:s0] =	ssyncadd.s32 @!p0 s1  }
0x3a: {  	[bflag:$0x3] =	sbarrier.arrive $0xFFFF  }
0x3b: {  	_ =	shalt  }

// kernel: kernel.13.cloned.1.call-start
scs
__scs_entry_jumppad:
0x0: {  	(pc) =	sbr.rel $0x88, $3  }
0x1: {  	(tag) =	ssettag $0x0;
	lr =	simm.s32 $0x1  }
0x2: {  	[smem:$0x3F97] =	sst lr;
	_ =	strace $0xD0000000  }
0x3: {  	_ = 	snop  }
0x4: {  	_ = 	snop  }
0x5: {  	_ = 	snop  }
0x6: {  	_ = 	snop  }
0x7: {  	_ = 	snop  }
__scs_overlays_trampoline_lowered:
0x8: {  	[smem:$0x3FA6] =	sst s0  }
0x9: {  	[smem:$0x3FA7] =	sst s1  }
0xa: {  	[smem:$0x3FA8] =	sst s2  }
0xb: {  	[smem:$0x3FA9] =	sst s3  }
0xc: {  	[smem:$0x3FAA] =	sst s4  }
0xd: {  	[smem:$0x3FAB] =	sst s5  }
0xe: {  	[smem:$0x3FAC] =	sst s6  }
0xf: {  	[smem:$0x3FAD] =	sst s7  }
0x10: {  	[smem:$0x3FAE] =	sst s8  }
0x11: {  	[smem:$0x3FAF] =	sst s9;
	s0 =	simm.s32 @!p0 $0x0  }
0x12: {  	s1 =	sld [smem:$0x3F95];
	s0 =	simm.s32 @p0 $0x1  }
0x13: {  	[smem:$0x3FB0] =	sst s0;
	s0 =	simm.s32 @!p1 $0x0  }
0x14: {  	s2 =	sld [smem:$0x3F94];
	s0 =	simm.s32 @p1 $0x1  }
0x15: {  	[smem:$0x3FB1] =	sst s0;
	s0 =	simm.s32 @!p2 $0x0  }
0x16: {  	s3 =	sld [smem:$0x3FDB];
	s0 =	simm.s32 @p2 $0x1  }
0x17: {  	s4 =	simm.s32 $0x1BF5;
	[smem:$0x3FB3] =	sst s0  }
0x18: {  	s0 =	sld [smem:$0x3F96];
	_ =	swait.ge [sflag:s4], $0x0  }
0x19: {  	s7 =	sld [smem:$0x3F97]  }
0x1a: {  	s8 =	sadd.s32 $0xFFFFE003, lr  }
0x1b: {  	s9 =	sadd.s32 $0xFFFFFEF7, lr;
	s5 =	simm.s32 $0xFFFFFFFF;
	p2 =	slt.u32 s8, $0xFFFFF086  }
0x1c: {  	p1 =	slt.u32 s9, $0xF7A;
	s5 =	simm.s32 @!p2 $0x0  }
0x1d: {  	s5 =	simm.s32 @p1 $0x1;
	p0 =	seq.s32 s7, s2  }
0x1e: {  	s7 =	smul.u32 @!p0 $0xF7A, s2;
	p2 =	seq.s32 @!p0 s5, $0x0  }
0x1f: {  	s9 =	smul.u32 $0xF7A, s1;
	s8 =	simm.s32 @!p0 $0x1BF5;
	p2 =	por !p2, p0  }
0x20: {  	[sflag:s8] =	ssyncset.s32 @!p0 $0xFFFFF086;
	s6 =	sadd.s32 @!p0 s3, s7;
	s7 =	simm.s32 @!p0 $0x108  }
0x21: {  	s3 =	sadd.s32 s3, s9;
	s6 =	sadd.s32 @!p0 $0x88, s6;
	s7 =	simm.s32 @p2 $0x1082  }
0x22: {  	[simem:s7], [sflag:s8] =	dma.local @!p0 [hbm:s6], $0xF7A  }
0x23: {  	s9 =	sor.u32 $0xD0000000, s2;
	s6 =	simm.s32 $0x108;
	_ =	swait.ge @!p0 [sflag:s8], $0x0  }
0x24: {  	s3 =	sadd.s32 $0x88, s3;
	s6 =	simm.s32 @!p1 $0x1082;
	[sflag:s4] =	ssyncset.s32 $0xFFFFF086  }
0x25: {  	[simem:s6], [sflag:s4] =	dma.local [hbm:s3], $0xF7A  }
0x26: {  	[smem:$0x3F97] =	sst s1;
	(tag) =	ssettag s2;
	_ =	strace s9  }
0x27: {  	s1 =	sld [smem:$0x3FA7]  }
0x28: {  	s2 =	sld [smem:$0x3FA8]  }
0x29: {  	s4 =	sld [smem:$0x3FAA]  }
0x2a: {  	p0 =	seq.s32 s5, $0x0;
	s5 =	sld [smem:$0x3FAB]  }
0x2b: {  	s6 =	sld [smem:$0x3FAC]  }
0x2c: {  	s7 =	sld [smem:$0x3FAD]  }
0x2d: {  	s3 =	simm.s32 $0x108;
	s8 =	sld [smem:$0x3FAE]  }
0x2e: {  	s3 =	simm.s32 @!p0 $0x1082;
	s9 =	sld [smem:$0x3FAF]  }
0x2f: {  	lr =	sadd.s32 s0, s3;
	s0 =	sld [smem:$0x3FA6]  }
0x30: {  	s3 =	sld [smem:$0x3FA9]  }
0x31: {  	[smem:$0x3FB2] =	sst s10  }
0x32: {  	s10 =	sld [smem:$0x3FB0];
	_ =	sdelay $0x3  }
0x33: {  	p0 =	seq.s32 s10, $0x1;
	s10 =	sld [smem:$0x3FB2];
	_ =	sdelay $0x3  }
0x34: {  	[smem:$0x3FB2] =	sst s10  }
0x35: {  	s10 =	sld [smem:$0x3FB1];
	_ =	sdelay $0x3  }
0x36: {  	p1 =	seq.s32 s10, $0x1;
	s10 =	sld [smem:$0x3FB2];
	_ =	sdelay $0x3  }
0x37: {  	[smem:$0x3FB2] =	sst s10  }
0x38: {  	s10 =	sld [smem:$0x3FB3]  }
0x39: {  	_ = 	snop;
	(pc) =	sbr.ind lr, $3  }
0x3a: {  	_ = 	snop  }
0x3b: {  	_ = 	snop  }
0x3c: {  	p2 =	seq.s32 s10, $0x1;
	s10 =	sld [smem:$0x3FB2]  }
0x3d: {  	_ =	shalt  }
0x3e: {  	_ =	shalt  }
0x3f: {  	_ =	shalt  }
0x40: {  	_ =	shalt  }
0x41: {  	_ =	shalt  }
0x42: {  	_ =	shalt  }
0x43: {  	_ =	shalt  }
0x44: {  	_ =	shalt  }
0x45: {  	_ =	shalt  }
0x46: {  	_ =	shalt  }
0x47: {  	_ =	shalt  }
0x48: {  	_ =	shalt  }
0x49: {  	_ =	shalt  }
0x4a: {  	_ =	shalt  }
0x4b: {  	_ =	shalt  }
0x4c: {  	_ =	shalt  }
0x4d: {  	_ =	shalt  }
0x4e: {  	_ =	shalt  }
0x4f: {  	_ =	shalt  }
0x50: {  	_ =	shalt  }
0x51: {  	_ =	shalt  }
0x52: {  	_ =	shalt  }
0x53: {  	_ =	shalt  }
0x54: {  	_ =	shalt  }
0x55: {  	_ =	shalt  }
0x56: {  	_ =	shalt  }
0x57: {  	_ =	shalt  }
0x58: {  	_ =	shalt  }
0x59: {  	_ =	shalt  }
0x5a: {  	_ =	shalt  }
0x5b: {  	_ =	shalt  }
0x5c: {  	_ =	shalt  }
0x5d: {  	_ =	shalt  }
0x5e: {  	_ =	shalt  }
0x5f: {  	_ =	shalt  }
0x60: {  	_ =	shalt  }
0x61: {  	_ =	shalt  }
0x62: {  	_ =	shalt  }
0x63: {  	_ =	shalt  }
0x64: {  	_ =	shalt  }
0x65: {  	_ =	shalt  }
0x66: {  	_ =	shalt  }
0x67: {  	_ =	shalt  }
0x68: {  	_ =	shalt  }
0x69: {  	_ =	shalt  }
0x6a: {  	_ =	shalt  }
0x6b: {  	_ =	shalt  }
0x6c: {  	_ =	shalt  }
0x6d: {  	_ =	shalt  }
0x6e: {  	_ =	shalt  }
0x6f: {  	_ =	shalt  }
0x70: {  	_ =	shalt  }
0x71: {  	_ =	shalt  }
0x72: {  	_ =	shalt  }
0x73: {  	_ =	shalt  }
0x74: {  	_ =	shalt  }
0x75: {  	_ =	shalt  }
0x76: {  	_ =	shalt  }
0x77: {  	_ =	shalt  }
0x78: {  	_ =	shalt  }
0x79: {  	_ =	shalt  }
0x7a: {  	_ =	shalt  }
0x7b: {  	_ =	shalt  }
0x7c: {  	_ =	shalt  }
0x7d: {  	_ =	shalt  }
0x7e: {  	_ =	shalt  }
0x7f: {  	_ =	shalt  }
0x80: {  	_ =	shalt  }
0x81: {  	_ =	shalt  }
0x82: {  	_ =	shalt  }
0x83: {  	_ =	shalt  }
0x84: {  	_ =	shalt  }
0x85: {  	_ =	shalt  }
0x86: {  	_ =	shalt  }
0x87: {  	_ =	shalt  }
.Lfunc_end0:
.L_simem_size_0:
called_computation.1_lowered:
.L_overlay_start_0:
0x88: {  	s2 =	sld [smem:$0x3FD9]  }
0x89: {  	s3 =	sld [smem:$0x3FFE];
	_ =	sdelay $0x1  }
0x8a: {  	s1 =	srdreg.scid  }
0x8b: {  	s0 =	sand.u32 $0x1, s1  }
0x8c: {  	s16 =	sshll.u32 s0, $0xA;
	s2 =	sadd.s32 s3, s2  }
0x8d: {  	s2 =	sadd.s32 s2, s16  }
0x8e: {  	[smem:$0x3FBE] =	sst s2  }
0x8f: {  	_ = 	snop  }
0x90: {  	(tm) =	ssettm $0x1  }
0x91: {  	s17 =	sld [smem:$0x3FFB];
	_ =	sdelay $0x3  }
0x92: {  	_ =	strace s17  }
0x93: {  	s2 =	sld [smem:$0x3FFC];
	_ =	sdelay $0x3  }
0x94: {  	_ =	strace s2  }
0x95: {  	s2 =	sld [smem:$0x3FFD];
	_ =	sdelay $0x3  }
0x96: {  	_ =	strace s2  }
0x97: {  	_ =	strace $0x8FFFFFFF  }
0x98: {  	s18 =	sld [smem:$0x3FDB];
	_ =	sdelay $0x1  }
0x99: {  	s19 =	simm.s32 $_scs_section_size  }
0x9a: {  	s4 =	simm.s32 $_size__tile_overlayer_lowered;
	s5 =	simm.s32 $_tile_overlayer_lowered  }
0x9b: {  	s22 =	simm.s32 $0x1BFF;
	s21 =	sshll.u32 s5, $0x1;
	s2 =	sadd.s32 s19, s18  }
0x9c: {  	s6 =	simm.s32 $0x0;
	s20 =	sshll.u32 s4, $0x1;
	s4 =	sadd.s32 s21, s2  }
0x9d: {  	[timem:s6], [sflag:s22] =	dma.local [hbm:s4], s20  }
0x9e: {  	_ =	swait.ge [sflag:s22], s20  }
0x9f: {  	s3 =	ssub.s32 $0x0, s20;
	[sflag:s22] =	ssyncset.done $0x0  }
0xa0: {  	[sflag:s22] =	ssyncadd.s32 s3;
	_ =	sdelay $0x1  }
0xa1: {  	s23 =	simm.s32 $0x1B8B  }
0xa2: {  	_ =	swait.ge [sflag:s23], $0x1  }
0xa3: {  	[sflag:s23] =	ssyncset.done $0x0  }
0xa4: {  	s25 =	simm.s32 $0x1B8E;
	s24 =	sld [smem:$0x3FFE];
	[sflag:s23] =	ssyncadd.s32 $0xFFFFFFFF  }
0xa5: {  	s26 =	simm.s32 $execute0_lowered;
	[smem:$0x3FD2] =	sst s25  }
0xa6: {  	s4 =	sshll.u32 s26, $0x1;
	_ =	strace $0x80000049;
	[dreg:$0x1] =	wrdreg $0xFFFFFFFF  }
0xa7: {  	s28 =	simm.s32 $_size_execute0_lowered;
	s2 =	sadd.s32 s2, s4;
	[dreg:$0x0] =	wrdreg $0x0  }
0xa8: {  	s4 =	sshll.u32 s28, $0x1;
	[dreg:$0x2] =	wrdreg s2  }
0xa9: {  	[dreg:$0x3] =	wrdreg s4  }
0xaa: {  	[dreg:$0x4] =	wrdreg $0xC0  }
0xab: {  	_ =	task [dreg:s6], $0x5FFFF  }
0xac: {  	[dreg:$0x1] =	wrdreg $0xFFFFFFFF  }
0xad: {  	[dreg:$0x0] =	wrdreg $0x60  }
0xae: {  	[dreg:$0x2] =	wrdreg s24  }
0xaf: {  	[dreg:$0x3] =	wrdreg $0x8F000  }
0xb0: {  	[dreg:$0x4] =	wrdreg $0x12F000  }
0xb1: {  	[dreg:$0x5] =	wrdreg $0x9  }
0xb2: {  	_ =	task.clear_ibuf [dreg:s6], $0x6FFFF;
	_ =	strace $0x90000049  }
0xb3: {  	s29 =	simm.s32 $0x9;
	_ =	strace $0x8000004B  }
0xb4: {  	_ =	swait.ge [sflag:s29], $0x1  }
0xb5: {  	[sflag:s29] =	ssyncadd.s32 $0xFFFFFFFF  }
0xb6: {  	_ =	strace $0x9000004B  }
0xb7: {  	_ =	sfence  }
0xb8: {  	s30 =	sld [smem:$0x0];
	_ =	sdelay $0x2  }
0xb9: {  	s31 =	sshll.u32 s1, $0xD;
	s1 =	sshrl.u32 s1, $0x2  }
0xba: {  	s3 =	sand.u32 $0x4000, s31;
	s1 =	sadd.s32 s1, s30  }
0xbb: {  	s0 =	sor.u32 s3, s0;
	s1 =	sshll.u32 s1, $0x11  }
0xbc: {  	s0 =	sor.u32 s1, s0  }
0xbd: {  	s0 =	sadd.s32 $0x8F2B, s0  }
0xbe: {  	[sflag:s0] =	ssyncadd.remote.s32 $0x1  }
0xbf: {  	_ =	sfence.sel $0xFFFF  }
0xc0: {  	[dreg:$0x0] =	wrdreg $0xFFFFFFFF;
	(pc) =	sbr.abs _section_cstart, $3  }
0xc1: {  	[dreg:$0x1] =	wrdreg $0xFFFFFFFF  }
0xc2: {  	_ =	task.clear_ibuf [dreg:s6], $0x2FFFF;
	_ =	strace $0x9FFFFFFF  }
0xc3: {  	(tm) =	ssettm $0x7FFFFFFF  }
tec
execute0_lowered:
.L_overlay_start_1:
0x0: {  	(tag) =	ssettag $0x1  }
0x1: {  	s5 =	rddreg [dreg:$0x0]  }
0x2: {  	s1 =	srdreg.scid;
	s2 =	rddreg [dreg:$0x1]  }
0x3: {  	s0 =	stileid.u32;
	s3 =	rddreg [dreg:$0x2];
	s4 =	simm.s32 $0x0  }
0x4: {  	s16 =	simm.s32 $0x2780;
	s17 =	simm.s32 $0x1;
	s18 =	simm.s32 $0x2  }
0x5: {  	s19 =	simm.s32 $0x3;
	s20 =	simm.s32 $0x4;
	s21 =	simm.s32 $0x80  }
0x6: {  	s22 =	simm.s32 $0x4F00;
	s23 =	simm.s32 $0x6F00;
	s24 =	simm.s32 $0x5  }
0x7: {  	s25 =	simm.s32 $0x2700;
	s28 =	simm.s32 $0x0;
	s6 =	sand.u32 $0x1, s1  }
0x8: {  	s26 =	sshll.u32 s0, $0x1;
	s8 =	smul.u32 $0xA000, s0;
	[smem:$0x7FF] =	sst s4  }
0x9: {  	s1 =	sor.u32 s6, s26;
	s9 =	smul.u32 $0xA0000, s6;
	_ =	strace $0x8000004A  }
0xa: {  	s6 =	ssub.s32 $0x2, s6;
	s26 =	simm.s32 $0x4E80;
	s7 =	smul.u32 $0x4F0, s1  }
0xb: {  	s29 =	sshrl.u32 s8, $0x3;
	s31 =	sshrl.u32 s6, $0x1;
	s14 =	sadd.s32 s8, s2  }
0xc: {  	s15 =	sadd.s32 s8, s3;
	s9 =	sadd.s32 s8, s9;
	s11 =	sadd.s32 s29, s5  }
0xd: {  	s13 =	ssub.s32 s6, s31;
	s15 =	sshrl.u32 s15, $0x3;
	s10 =	sadd.s32 s7, s5  }
0xe: {  	s30 =	sshrl.u32 s9, $0x3;
	s6 =	sadd.s32 $0x24E00, s11;
	s8 =	sadd.s32 $0x38E00, s11  }
0xf: {  	s12 =	sadd.s32 s30, s5;
	s5 =	sshll.u32 s0, $0x6;
	s9 =	sadd.s32 $0x1B000, s10  }
0x10: {  	s10 =	sadd.s32 $0x2000, s10;
	s7 =	sor.u32 $0x1C01, s5;
	s11 =	sadd.s32 $0x4CE00, s12  }
0x11: {  	s12 =	smax.u32 s13, $0x1;
	s13 =	sshrl.u32 s14, $0x3;
	s14 =	sor.u32 $0x1C02, s5  }
.LBB2_1:
0x12: {  	[spmem:s13], [sflag:s7] =	dma.local [hbm:s6], $0x1400  }
0x13: {  	[spmem:s15], [sflag:s14] =	dma.local [hbm:s8], $0x1400  }
0x14: {  	[tilespmem:s4], [sflag:$0x3] =	stream.linear.gather [hbm4b:s9+s4], $0x2780, $0x38;
	[tilespmem:$0x1CF00] =	vst v63  }
0x15: {  	_ = 	snop  }
0x16: {  	[tilespmem:s16], [sflag:$0x4] =	stream.linear.gather [hbm4b:s10+s4], $0x2780, $0x38;
	[tilespmem:$0x1CF00] =	vst v63  }
0x17: {  	_ =	swait.ge [sflag:s17], $0x1400  }
0x18: {  	[sflag:s17] =	ssyncset.done $0x0  }
0x19: {  	[sflag:s17] =	ssyncadd.s32 $0xFFFFEC00  }
0x1a: {  	_ =	swait.ge [sflag:s18], $0x1400  }
0x1b: {  	[sflag:s18] =	ssyncset.done $0x0  }
0x1c: {  	[sflag:s18] =	ssyncadd.s32 $0xFFFFEC00  }
0x1d: {  	_ =	swait.ge [sflag:s19], $0x2780  }
0x1e: {  	[sflag:s19] =	ssyncset.done $0x0  }
0x1f: {  	[sflag:s19] =	ssyncadd.s32 $0xFFFFD880  }
0x20: {  	_ =	swait.ge [sflag:s20], $0x2780  }
0x21: {  	[sflag:s20] =	ssyncset.done $0x0  }
0x22: {  	[sflag:s20] =	ssyncadd.s32 $0xFFFFD880  }
0x23: {  	s29 =	simm.s32 $0x0;
	[bflag:$0x0] =	sbarrier.arrive $0xFFFF  }
0x24: {  	[tilespmem:s22], [sflag:$0x1] =	stream.indirect.gather [spmem:s2], $0x40, s29, s21, $0xb8;
	[tilespmem:$0x1CF00] =	vst v63  }
0x25: {  	_ =	swait.ge [sflag:s17], $0x2000  }
0x26: {  	[sflag:s17] =	ssyncset.done $0x0  }
0x27: {  	s29 =	simm.s32 $0x80;
	[sflag:s17] =	ssyncadd.s32 $0xFFFFE000  }
0x28: {  	[tilespmem:s23], [sflag:$0x2] =	stream.indirect.gather [spmem:s2], $0x40, s29, s21, $0xb8;
	[tilespmem:$0x1CF00] =	vst v63  }
0x29: {  	s29 =	simm.s32 $0x2780  }
0x2a: {  	[spmem:s3] =	stream.indirect.scatter.add.f32 [tilespmem:s22], [sflag:$0x5], $0x40, s29, s21, $0xb8;
	[tilespmem:$0x1CF00] =	vst v63  }
0x2b: {  	_ =	swait.ge [sflag:s24], $0x2000  }
0x2c: {  	[sflag:s24] =	ssyncset.done $0x0  }
0x2d: {  	[sflag:s24] =	ssyncadd.s32 $0xFFFFE000  }
0x2e: {  	_ =	swait.ge [sflag:s18], $0x2000  }
0x2f: {  	[sflag:s18] =	ssyncset.done $0x0  }
0x30: {  	s29 =	simm.s32 $0x2800;
	[sflag:s18] =	ssyncadd.s32 $0xFFFFE000  }
0x31: {  	[spmem:s3] =	stream.indirect.scatter.add.f32 [tilespmem:s23], [sflag:$0x5], $0x40, s29, s21, $0xb8;
	[tilespmem:$0x1CF00] =	vst v63  }
0x32: {  	_ =	swait.ge [sflag:s24], $0x2000  }
0x33: {  	s30 =	simm.s32 $0x800;
	s29 =	simm.s32 $0x400;
	[sflag:s24] =	ssyncset.done $0x0  }
.LBB2_2:
0x34: {  	s31 =	sshra.s32 s29, $0x2  }
0x35: {  	[sflag:s24] =	ssyncadd.s32 $0xFFFFE000;
	s29 =	smov.u32 s30;
	s1 =	sadd.s32 $0x400, s30  }
0x36: {  	[tilespmem:s22], [sflag:$0x1] =	stream.indirect.gather [spmem:s2], $0x40, s31, s21, $0xb8;
	[tilespmem:$0x1CF00] =	vst v63  }
0x37: {  	p0 =	sne.s32 s30, $0x9800;
	_ =	swait.ge [sflag:s17], $0x2000  }
0x38: {  	[sflag:s17] =	ssyncset.done $0x0  }
0x39: {  	s30 =	sadd.s32 $0x80, s31;
	[sflag:s17] =	ssyncadd.s32 $0xFFFFE000  }
0x3a: {  	[tilespmem:s23], [sflag:$0x2] =	stream.indirect.gather [spmem:s2], $0x40, s30, s21, $0xb8;
	[tilespmem:$0x1CF00] =	vst v63  }
0x3b: {  	s30 =	sadd.s32 $0x2780, s31  }
0x3c: {  	[spmem:s3] =	stream.indirect.scatter.add.f32 [tilespmem:s22], [sflag:$0x5], $0x40, s30, s21, $0xb8;
	[tilespmem:$0x1CF00] =	vst v63  }
0x3d: {  	_ =	swait.ge [sflag:s24], $0x2000  }
0x3e: {  	[sflag:s24] =	ssyncset.done $0x0  }
0x3f: {  	[sflag:s24] =	ssyncadd.s32 $0xFFFFE000  }
0x40: {  	_ =	swait.ge [sflag:s18], $0x2000  }
.Ltmp0:
0x41: {  	[sflag:s18] =	ssyncset.done $0x0;
	(pc) =	sbr.rel @p0 .LBB2_2-.Ltmp0, $4  }
0x42: {  	s30 =	sadd.s32 $0x2800, s31;
	[sflag:s18] =	ssyncadd.s32 $0xFFFFE000  }
0x43: {  	[spmem:s3] =	stream.indirect.scatter.add.f32 [tilespmem:s23], [sflag:$0x5], $0x40, s30, s21, $0xb8;
	[tilespmem:$0x1CF00] =	vst v63  }
0x44: {  	_ =	swait.ge [sflag:s24], $0x2000  }
0x45: {  	s30 =	smov.u32 s1;
	[sflag:s24] =	ssyncset.done $0x0  }
0x46: {  	s1 =	sshra.s32 s29, $0x2;
	[sflag:s24] =	ssyncadd.s32 $0xFFFFE000  }
0x47: {  	[tilespmem:s22], [sflag:$0x1] =	stream.indirect.gather [spmem:s2], $0x40, s1, s21, $0xb8;
	[tilespmem:$0x1CF00] =	vst v63  }
0x48: {  	_ =	swait.ge [sflag:s17], $0x2000  }
0x49: {  	[sflag:s17] =	ssyncset.done $0x0  }
0x4a: {  	s29 =	sadd.s32 $0x80, s1;
	[sflag:s17] =	ssyncadd.s32 $0xFFFFE000  }
0x4b: {  	[tilespmem:s23], [sflag:$0x2] =	stream.indirect.gather [spmem:s2], $0x40, s29, s21, $0xb8;
	[tilespmem:$0x1CF00] =	vst v63  }
0x4c: {  	s30 =	sadd.s32 $0x2780, s1  }
0x4d: {  	[spmem:s3] =	stream.indirect.scatter.add.f32 [tilespmem:s22], [sflag:$0x5], $0x40, s30, s21, $0xb8;
	[tilespmem:$0x1CF00] =	vst v63  }
0x4e: {  	_ =	swait.ge [sflag:s24], $0x2000  }
0x4f: {  	[sflag:s24] =	ssyncset.done $0x0  }
0x50: {  	[sflag:s24] =	ssyncadd.s32 $0xFFFFE000  }
0x51: {  	_ =	swait.ge [sflag:s18], $0x2000  }
0x52: {  	[sflag:s18] =	ssyncset.done $0x0  }
0x53: {  	s1 =	sadd.s32 $0x2800, s1;
	[sflag:s18] =	ssyncadd.s32 $0xFFFFE000  }
0x54: {  	[spmem:s3] =	stream.indirect.scatter.add.f32 [tilespmem:s23], [sflag:$0x5], $0x40, s1, s21, $0xb8;
	[tilespmem:$0x1CF00] =	vst v63  }
0x55: {  	_ =	swait.ge [sflag:s24], $0x2000  }
0x56: {  	[sflag:s24] =	ssyncset.done $0x0  }
0x57: {  	[sflag:s24] =	ssyncadd.s32 $0xFFFFE000  }
0x58: {  	[tilespmem:s22], [sflag:$0x1] =	stream.indirect.gather [spmem:s2], $0x40, s25, s21, $0xb8;
	[tilespmem:$0x1CF00] =	vst v63  }
0x59: {  	_ =	swait.ge [sflag:s17], $0x2000  }
0x5a: {  	[sflag:s17] =	ssyncset.done $0x0  }
0x5b: {  	[sflag:s17] =	ssyncadd.s32 $0xFFFFE000  }
0x5c: {  	[spmem:s3] =	stream.indirect.scatter.add.f32 [tilespmem:s22], [sflag:$0x5], $0x40, s26, s21, $0xb8;
	[tilespmem:$0x1CF00] =	vst v63  }
0x5d: {  	_ =	swait.ge [sflag:s24], $0x2000  }
0x5e: {  	s28 =	sadd.s32 $0x1, s28;
	[sflag:s24] =	ssyncset.done $0x0  }
0x5f: {  	p0 =	sne.s32 s28, s12;
	[sflag:s24] =	ssyncadd.s32 $0xFFFFE000  }
.Ltmp1:
0x60: {  	s31 =	sor.u32 $0x1C05, s5;
	[bflag:$0x0] =	sbarrier.arrive $0xFFFF;
	(pc) =	sbr.rel @p0 .LBB2_1-.Ltmp1, $4  }
0x61: {  	[hbm:s11], [sflag:s31] =	dma.local [spmem:s15], $0x1400  }
0x62: {  	_ =	swait.ge [sflag:s24], $0x1400  }
0x63: {  	[sflag:s24] =	ssyncset.done $0x0  }
0x64: {  	[sflag:s24] =	ssyncadd.s32 $0xFFFFEC00  }
0x65: {  	_ =	sfence.sel $0x180000  }
0x66: {  	[bflag:$0x0] =	sbarrier.arrive $0xFFFF  }
0x67: {  	_ =	strace $0x9000004A  }
0x68: {  	[bflag:$0x2] =	sbarrier.arrive $0xFFFF  }
0x69: {  	p0 =	sne.s32 s0, $0x0;
	s0 =	rddreg [dreg:$0x3]  }
0x6a: {  	s0 =	sadd.s32 @!p0 $0x100000, s0  }
0x6b: {  	[sflag:s0] =	ssyncadd.tile.s32 @!p0 $0x1;
	_ =	shalt  }
.Lfunc_end2:
_tile_overlayer_lowered:
.L_overlay_start_2:
0x6c: {  	(tag) =	ssettag $0x2  }
0x6d: {  	s0 =	rddreg [dreg:$0x0];
	s2 =	stileid.u32  }
0x6e: {  	s1 =	rddreg [dreg:$0x1];
	p0 =	sne.s32 s2, $0x0  }
0x6f: {  	s3 =	rddreg [dreg:$0x2];
	[bflag:$0x3] =	sbarrier.arrive $0xFFFF;
	s2 =	simm.s32 @!p0 $0x1C05  }
0x70: {  	[timem:s3], [sflag:s2] =	dma.local @!p0 [hbm:s0], s1  }
0x71: {  	s0 =	simm.s32 @!p0 $0x5  }
0x72: {  	_ =	swait.ge @!p0 [sflag:s0], s1  }
0x73: {  	s1 =	ssub.s32 @!p0 $0x0, s1;
	[sflag:s0] =	ssyncset.done @!p0 $0x0  }
0x74: {  	[sflag:s0] =	ssyncadd.s32 @!p0 s1  }
0x75: {  	[bflag:$0x3] =	sbarrier.arrive $0xFFFF  }
0x76: {  	_ =	shalt  }

// kernel: kernel.16.cloned.1.call-start
scs
__scs_entry_jumppad:
0x0: {  	(pc) =	sbr.rel $0x88, $3  }
0x1: {  	(tag) =	ssettag $0x0;
	lr =	simm.s32 $0x1  }
0x2: {  	[smem:$0x3F97] =	sst lr;
	_ =	strace $0xD0000000  }
0x3: {  	_ = 	snop  }
0x4: {  	_ = 	snop  }
0x5: {  	_ = 	snop  }
0x6: {  	_ = 	snop  }
0x7: {  	_ = 	snop  }
__scs_overlays_trampoline_lowered:
0x8: {  	[smem:$0x3FA6] =	sst s0  }
0x9: {  	[smem:$0x3FA7] =	sst s1  }
0xa: {  	[smem:$0x3FA8] =	sst s2  }
0xb: {  	[smem:$0x3FA9] =	sst s3  }
0xc: {  	[smem:$0x3FAA] =	sst s4  }
0xd: {  	[smem:$0x3FAB] =	sst s5  }
0xe: {  	[smem:$0x3FAC] =	sst s6  }
0xf: {  	[smem:$0x3FAD] =	sst s7  }
0x10: {  	[smem:$0x3FAE] =	sst s8  }
0x11: {  	[smem:$0x3FAF] =	sst s9;
	s0 =	simm.s32 @!p0 $0x0  }
0x12: {  	s1 =	sld [smem:$0x3F95];
	s0 =	simm.s32 @p0 $0x1  }
0x13: {  	[smem:$0x3FB0] =	sst s0;
	s0 =	simm.s32 @!p1 $0x0  }
0x14: {  	s2 =	sld [smem:$0x3F94];
	s0 =	simm.s32 @p1 $0x1  }
0x15: {  	[smem:$0x3FB1] =	sst s0;
	s0 =	simm.s32 @!p2 $0x0  }
0x16: {  	s3 =	sld [smem:$0x3FDB];
	s0 =	simm.s32 @p2 $0x1  }
0x17: {  	s4 =	simm.s32 $0x1BF5;
	[smem:$0x3FB3] =	sst s0  }
0x18: {  	s0 =	sld [smem:$0x3F96];
	_ =	swait.ge [sflag:s4], $0x0  }
0x19: {  	s7 =	sld [smem:$0x3F97]  }
0x1a: {  	s8 =	sadd.s32 $0xFFFFE003, lr  }
0x1b: {  	s9 =	sadd.s32 $0xFFFFFEF7, lr;
	s5 =	simm.s32 $0xFFFFFFFF;
	p2 =	slt.u32 s8, $0xFFFFF086  }
0x1c: {  	p1 =	slt.u32 s9, $0xF7A;
	s5 =	simm.s32 @!p2 $0x0  }
0x1d: {  	s5 =	simm.s32 @p1 $0x1;
	p0 =	seq.s32 s7, s2  }
0x1e: {  	s7 =	smul.u32 @!p0 $0xF7A, s2;
	p2 =	seq.s32 @!p0 s5, $0x0  }
0x1f: {  	s9 =	smul.u32 $0xF7A, s1;
	s8 =	simm.s32 @!p0 $0x1BF5;
	p2 =	por !p2, p0  }
0x20: {  	[sflag:s8] =	ssyncset.s32 @!p0 $0xFFFFF086;
	s6 =	sadd.s32 @!p0 s3, s7;
	s7 =	simm.s32 @!p0 $0x108  }
0x21: {  	s3 =	sadd.s32 s3, s9;
	s6 =	sadd.s32 @!p0 $0x88, s6;
	s7 =	simm.s32 @p2 $0x1082  }
0x22: {  	[simem:s7], [sflag:s8] =	dma.local @!p0 [hbm:s6], $0xF7A  }
0x23: {  	s9 =	sor.u32 $0xD0000000, s2;
	s6 =	simm.s32 $0x108;
	_ =	swait.ge @!p0 [sflag:s8], $0x0  }
0x24: {  	s3 =	sadd.s32 $0x88, s3;
	s6 =	simm.s32 @!p1 $0x1082;
	[sflag:s4] =	ssyncset.s32 $0xFFFFF086  }
0x25: {  	[simem:s6], [sflag:s4] =	dma.local [hbm:s3], $0xF7A  }
0x26: {  	[smem:$0x3F97] =	sst s1;
	(tag) =	ssettag s2;
	_ =	strace s9  }
0x27: {  	s1 =	sld [smem:$0x3FA7]  }
0x28: {  	s2 =	sld [smem:$0x3FA8]  }
0x29: {  	s4 =	sld [smem:$0x3FAA]  }
0x2a: {  	p0 =	seq.s32 s5, $0x0;
	s5 =	sld [smem:$0x3FAB]  }
0x2b: {  	s6 =	sld [smem:$0x3FAC]  }
0x2c: {  	s7 =	sld [smem:$0x3FAD]  }
0x2d: {  	s3 =	simm.s32 $0x108;
	s8 =	sld [smem:$0x3FAE]  }
0x2e: {  	s3 =	simm.s32 @!p0 $0x1082;
	s9 =	sld [smem:$0x3FAF]  }
0x2f: {  	lr =	sadd.s32 s0, s3;
	s0 =	sld [smem:$0x3FA6]  }
0x30: {  	s3 =	sld [smem:$0x3FA9]  }
0x31: {  	[smem:$0x3FB2] =	sst s10  }
0x32: {  	s10 =	sld [smem:$0x3FB0];
	_ =	sdelay $0x3  }
0x33: {  	p0 =	seq.s32 s10, $0x1;
	s10 =	sld [smem:$0x3FB2];
	_ =	sdelay $0x3  }
0x34: {  	[smem:$0x3FB2] =	sst s10  }
0x35: {  	s10 =	sld [smem:$0x3FB1];
	_ =	sdelay $0x3  }
0x36: {  	p1 =	seq.s32 s10, $0x1;
	s10 =	sld [smem:$0x3FB2];
	_ =	sdelay $0x3  }
0x37: {  	[smem:$0x3FB2] =	sst s10  }
0x38: {  	s10 =	sld [smem:$0x3FB3]  }
0x39: {  	_ = 	snop;
	(pc) =	sbr.ind lr, $3  }
0x3a: {  	_ = 	snop  }
0x3b: {  	_ = 	snop  }
0x3c: {  	p2 =	seq.s32 s10, $0x1;
	s10 =	sld [smem:$0x3FB2]  }
0x3d: {  	_ =	shalt  }
0x3e: {  	_ =	shalt  }
0x3f: {  	_ =	shalt  }
0x40: {  	_ =	shalt  }
0x41: {  	_ =	shalt  }
0x42: {  	_ =	shalt  }
0x43: {  	_ =	shalt  }
0x44: {  	_ =	shalt  }
0x45: {  	_ =	shalt  }
0x46: {  	_ =	shalt  }
0x47: {  	_ =	shalt  }
0x48: {  	_ =	shalt  }
0x49: {  	_ =	shalt  }
0x4a: {  	_ =	shalt  }
0x4b: {  	_ =	shalt  }
0x4c: {  	_ =	shalt  }
0x4d: {  	_ =	shalt  }
0x4e: {  	_ =	shalt  }
0x4f: {  	_ =	shalt  }
0x50: {  	_ =	shalt  }
0x51: {  	_ =	shalt  }
0x52: {  	_ =	shalt  }
0x53: {  	_ =	shalt  }
0x54: {  	_ =	shalt  }
0x55: {  	_ =	shalt  }
0x56: {  	_ =	shalt  }
0x57: {  	_ =	shalt  }
0x58: {  	_ =	shalt  }
0x59: {  	_ =	shalt  }
0x5a: {  	_ =	shalt  }
0x5b: {  	_ =	shalt  }
0x5c: {  	_ =	shalt  }
0x5d: {  	_ =	shalt  }
0x5e: {  	_ =	shalt  }
0x5f: {  	_ =	shalt  }
0x60: {  	_ =	shalt  }
0x61: {  	_ =	shalt  }
0x62: {  	_ =	shalt  }
0x63: {  	_ =	shalt  }
0x64: {  	_ =	shalt  }
0x65: {  	_ =	shalt  }
0x66: {  	_ =	shalt  }
0x67: {  	_ =	shalt  }
0x68: {  	_ =	shalt  }
0x69: {  	_ =	shalt  }
0x6a: {  	_ =	shalt  }
0x6b: {  	_ =	shalt  }
0x6c: {  	_ =	shalt  }
0x6d: {  	_ =	shalt  }
0x6e: {  	_ =	shalt  }
0x6f: {  	_ =	shalt  }
0x70: {  	_ =	shalt  }
0x71: {  	_ =	shalt  }
0x72: {  	_ =	shalt  }
0x73: {  	_ =	shalt  }
0x74: {  	_ =	shalt  }
0x75: {  	_ =	shalt  }
0x76: {  	_ =	shalt  }
0x77: {  	_ =	shalt  }
0x78: {  	_ =	shalt  }
0x79: {  	_ =	shalt  }
0x7a: {  	_ =	shalt  }
0x7b: {  	_ =	shalt  }
0x7c: {  	_ =	shalt  }
0x7d: {  	_ =	shalt  }
0x7e: {  	_ =	shalt  }
0x7f: {  	_ =	shalt  }
0x80: {  	_ =	shalt  }
0x81: {  	_ =	shalt  }
0x82: {  	_ =	shalt  }
0x83: {  	_ =	shalt  }
0x84: {  	_ =	shalt  }
0x85: {  	_ =	shalt  }
0x86: {  	_ =	shalt  }
0x87: {  	_ =	shalt  }
.Lfunc_end0:
.L_simem_size_0:
called_computation.2_lowered:
.L_overlay_start_0:
0x88: {  	s2 =	sld [smem:$0x3FD9]  }
0x89: {  	s3 =	sld [smem:$0x3FFE];
	_ =	sdelay $0x1  }
0x8a: {  	s1 =	srdreg.scid  }
0x8b: {  	s0 =	sand.u32 $0x1, s1  }
0x8c: {  	s16 =	sshll.u32 s0, $0xA;
	s2 =	sadd.s32 s3, s2  }
0x8d: {  	s2 =	sadd.s32 s2, s16  }
0x8e: {  	[smem:$0x3FBE] =	sst s2  }
0x8f: {  	_ = 	snop  }
0x90: {  	(tm) =	ssettm $0x1  }
0x91: {  	s17 =	sld [smem:$0x3FFB];
	_ =	sdelay $0x3  }
0x92: {  	_ =	strace s17  }
0x93: {  	s2 =	sld [smem:$0x3FFC];
	_ =	sdelay $0x3  }
0x94: {  	_ =	strace s2  }
0x95: {  	s2 =	sld [smem:$0x3FFD];
	_ =	sdelay $0x3  }
0x96: {  	_ =	strace s2  }
0x97: {  	_ =	strace $0x8FFFFFFF  }
0x98: {  	s18 =	sld [smem:$0x3FDB];
	_ =	sdelay $0x1  }
0x99: {  	s19 =	simm.s32 $_scs_section_size  }
0x9a: {  	s4 =	simm.s32 $_size__tile_overlayer_lowered;
	s5 =	simm.s32 $_tile_overlayer_lowered  }
0x9b: {  	s22 =	simm.s32 $0x1BFF;
	s21 =	sshll.u32 s5, $0x1;
	s2 =	sadd.s32 s19, s18  }
0x9c: {  	s6 =	simm.s32 $0x0;
	s20 =	sshll.u32 s4, $0x1;
	s4 =	sadd.s32 s21, s2  }
0x9d: {  	[timem:s6], [sflag:s22] =	dma.local [hbm:s4], s20  }
0x9e: {  	_ =	swait.ge [sflag:s22], s20  }
0x9f: {  	s3 =	ssub.s32 $0x0, s20;
	[sflag:s22] =	ssyncset.done $0x0  }
0xa0: {  	[sflag:s22] =	ssyncadd.s32 s3;
	_ =	sdelay $0x1  }
0xa1: {  	s23 =	simm.s32 $0x1B8B  }
0xa2: {  	_ =	swait.ge [sflag:s23], $0x1  }
0xa3: {  	[sflag:s23] =	ssyncset.done $0x0  }
0xa4: {  	s25 =	simm.s32 $0x1B8E;
	s24 =	sld [smem:$0x3FFE];
	[sflag:s23] =	ssyncadd.s32 $0xFFFFFFFF  }
0xa5: {  	s26 =	simm.s32 $execute0_lowered;
	[smem:$0x3FD2] =	sst s25  }
0xa6: {  	s4 =	sshll.u32 s26, $0x1;
	_ =	strace $0x8000004C;
	[dreg:$0x1] =	wrdreg $0xFFFFFFFF  }
0xa7: {  	s28 =	simm.s32 $_size_execute0_lowered;
	s2 =	sadd.s32 s2, s4;
	[dreg:$0x0] =	wrdreg $0x0  }
0xa8: {  	s4 =	sshll.u32 s28, $0x1;
	[dreg:$0x2] =	wrdreg s2  }
0xa9: {  	[dreg:$0x3] =	wrdreg s4  }
0xaa: {  	[dreg:$0x4] =	wrdreg $0xC0  }
0xab: {  	_ =	task [dreg:s6], $0x5FFFF  }
0xac: {  	[dreg:$0x1] =	wrdreg $0xFFFFFFFF  }
0xad: {  	[dreg:$0x0] =	wrdreg $0x60  }
0xae: {  	[dreg:$0x2] =	wrdreg s24  }
0xaf: {  	[dreg:$0x3] =	wrdreg $0x8F000  }
0xb0: {  	[dreg:$0x4] =	wrdreg $0x12F000  }
0xb1: {  	[dreg:$0x5] =	wrdreg $0x9  }
0xb2: {  	_ =	task.clear_ibuf [dreg:s6], $0x6FFFF;
	_ =	strace $0x9000004C  }
0xb3: {  	s29 =	simm.s32 $0x9;
	_ =	strace $0x8000004E  }
0xb4: {  	_ =	swait.ge [sflag:s29], $0x1  }
0xb5: {  	[sflag:s29] =	ssyncadd.s32 $0xFFFFFFFF  }
0xb6: {  	_ =	strace $0x9000004E  }
0xb7: {  	_ =	sfence  }
0xb8: {  	s30 =	sld [smem:$0x0];
	_ =	sdelay $0x2  }
0xb9: {  	s31 =	sshll.u32 s1, $0xD;
	s1 =	sshrl.u32 s1, $0x2  }
0xba: {  	s3 =	sand.u32 $0x4000, s31;
	s1 =	sadd.s32 s1, s30  }
0xbb: {  	s0 =	sor.u32 s3, s0;
	s1 =	sshll.u32 s1, $0x11  }
0xbc: {  	s0 =	sor.u32 s1, s0  }
0xbd: {  	s0 =	sadd.s32 $0x8F2B, s0  }
0xbe: {  	[sflag:s0] =	ssyncadd.remote.s32 $0x1  }
0xbf: {  	_ =	sfence.sel $0xFFFF  }
0xc0: {  	[dreg:$0x0] =	wrdreg $0xFFFFFFFF;
	(pc) =	sbr.abs _section_cstart, $3  }
0xc1: {  	[dreg:$0x1] =	wrdreg $0xFFFFFFFF  }
0xc2: {  	_ =	task.clear_ibuf [dreg:s6], $0x2FFFF;
	_ =	strace $0x9FFFFFFF  }
0xc3: {  	(tm) =	ssettm $0x7FFFFFFF  }
tec
execute0_lowered:
.L_overlay_start_1:
0x0: {  	(tag) =	ssettag $0x1  }
0x1: {  	s5 =	rddreg [dreg:$0x0]  }
0x2: {  	s1 =	srdreg.scid;
	s2 =	rddreg [dreg:$0x1]  }
0x3: {  	s0 =	stileid.u32;
	s3 =	rddreg [dreg:$0x2];
	s4 =	simm.s32 $0x0  }
0x4: {  	s16 =	simm.s32 $0x2780;
	s17 =	simm.s32 $0x1;
	s18 =	simm.s32 $0x2  }
0x5: {  	s19 =	simm.s32 $0x3;
	s20 =	simm.s32 $0x4;
	s21 =	simm.s32 $0x80  }
0x6: {  	s22 =	simm.s32 $0x4F00;
	s23 =	simm.s32 $0x6F00;
	s24 =	simm.s32 $0x5  }
0x7: {  	s25 =	simm.s32 $0x2700;
	s28 =	simm.s32 $0x0;
	s6 =	sand.u32 $0x1, s1  }
0x8: {  	s26 =	sshll.u32 s0, $0x1;
	s8 =	smul.u32 $0xA000, s0;
	[smem:$0x7FF] =	sst s4  }
0x9: {  	s1 =	sor.u32 s6, s26;
	s9 =	smul.u32 $0xA0000, s6;
	_ =	strace $0x8000004D  }
0xa: {  	s6 =	ssub.s32 $0x2, s6;
	s26 =	simm.s32 $0x4E80;
	s7 =	smul.u32 $0x4F0, s1  }
0xb: {  	s29 =	sshrl.u32 s8, $0x3;
	s31 =	sshrl.u32 s6, $0x1;
	s14 =	sadd.s32 s8, s2  }
0xc: {  	s15 =	sadd.s32 s8, s3;
	s9 =	sadd.s32 s8, s9;
	s11 =	sadd.s32 s29, s5  }
0xd: {  	s13 =	ssub.s32 s6, s31;
	s15 =	sshrl.u32 s15, $0x3;
	s10 =	sadd.s32 s7, s5  }
0xe: {  	s30 =	sshrl.u32 s9, $0x3;
	s6 =	sadd.s32 $0x24E00, s11;
	s8 =	sadd.s32 $0x38E00, s11  }
0xf: {  	s12 =	sadd.s32 s30, s5;
	s5 =	sshll.u32 s0, $0x6;
	s9 =	sadd.s32 $0x1B000, s10  }
0x10: {  	s10 =	sadd.s32 $0x2000, s10;
	s7 =	sor.u32 $0x1C01, s5;
	s11 =	sadd.s32 $0x4CE00, s12  }
0x11: {  	s12 =	smax.u32 s13, $0x1;
	s13 =	sshrl.u32 s14, $0x3;
	s14 =	sor.u32 $0x1C02, s5  }
.LBB2_1:
0x12: {  	[spmem:s13], [sflag:s7] =	dma.local [hbm:s6], $0x1400  }
0x13: {  	[spmem:s15], [sflag:s14] =	dma.local [hbm:s8], $0x1400  }
0x14: {  	[tilespmem:s4], [sflag:$0x3] =	stream.linear.gather [hbm4b:s9+s4], $0x2780, $0x38;
	[tilespmem:$0x1CF00] =	vst v63  }
0x15: {  	_ = 	snop  }
0x16: {  	[tilespmem:s16], [sflag:$0x4] =	stream.linear.gather [hbm4b:s10+s4], $0x2780, $0x38;
	[tilespmem:$0x1CF00] =	vst v63  }
0x17: {  	_ =	swait.ge [sflag:s17], $0x1400  }
0x18: {  	[sflag:s17] =	ssyncset.done $0x0  }
0x19: {  	[sflag:s17] =	ssyncadd.s32 $0xFFFFEC00  }
0x1a: {  	_ =	swait.ge [sflag:s18], $0x1400  }
0x1b: {  	[sflag:s18] =	ssyncset.done $0x0  }
0x1c: {  	[sflag:s18] =	ssyncadd.s32 $0xFFFFEC00  }
0x1d: {  	_ =	swait.ge [sflag:s19], $0x2780  }
0x1e: {  	[sflag:s19] =	ssyncset.done $0x0  }
0x1f: {  	[sflag:s19] =	ssyncadd.s32 $0xFFFFD880  }
0x20: {  	_ =	swait.ge [sflag:s20], $0x2780  }
0x21: {  	[sflag:s20] =	ssyncset.done $0x0  }
0x22: {  	[sflag:s20] =	ssyncadd.s32 $0xFFFFD880  }
0x23: {  	s29 =	simm.s32 $0x0;
	[bflag:$0x0] =	sbarrier.arrive $0xFFFF  }
0x24: {  	[tilespmem:s22], [sflag:$0x1] =	stream.indirect.gather [spmem:s2], $0x40, s29, s21, $0xb8;
	[tilespmem:$0x1CF00] =	vst v63  }
0x25: {  	_ =	swait.ge [sflag:s17], $0x2000  }
0x26: {  	[sflag:s17] =	ssyncset.done $0x0  }
0x27: {  	s29 =	simm.s32 $0x80;
	[sflag:s17] =	ssyncadd.s32 $0xFFFFE000  }
0x28: {  	[tilespmem:s23], [sflag:$0x2] =	stream.indirect.gather [spmem:s2], $0x40, s29, s21, $0xb8;
	[tilespmem:$0x1CF00] =	vst v63  }
0x29: {  	s29 =	simm.s32 $0x2780  }
0x2a: {  	[spmem:s3] =	stream.indirect.scatter.add.f32 [tilespmem:s22], [sflag:$0x5], $0x40, s29, s21, $0xb8;
	[tilespmem:$0x1CF00] =	vst v63  }
0x2b: {  	_ =	swait.ge [sflag:s24], $0x2000  }
0x2c: {  	[sflag:s24] =	ssyncset.done $0x0  }
0x2d: {  	[sflag:s24] =	ssyncadd.s32 $0xFFFFE000  }
0x2e: {  	_ =	swait.ge [sflag:s18], $0x2000  }
0x2f: {  	[sflag:s18] =	ssyncset.done $0x0  }
0x30: {  	s29 =	simm.s32 $0x2800;
	[sflag:s18] =	ssyncadd.s32 $0xFFFFE000  }
0x31: {  	[spmem:s3] =	stream.indirect.scatter.add.f32 [tilespmem:s23], [sflag:$0x5], $0x40, s29, s21, $0xb8;
	[tilespmem:$0x1CF00] =	vst v63  }
0x32: {  	_ =	swait.ge [sflag:s24], $0x2000  }
0x33: {  	s30 =	simm.s32 $0x800;
	s29 =	simm.s32 $0x400;
	[sflag:s24] =	ssyncset.done $0x0  }
.LBB2_2:
0x34: {  	s31 =	sshra.s32 s29, $0x2  }
0x35: {  	[sflag:s24] =	ssyncadd.s32 $0xFFFFE000;
	s29 =	smov.u32 s30;
	s1 =	sadd.s32 $0x400, s30  }
0x36: {  	[tilespmem:s22], [sflag:$0x1] =	stream.indirect.gather [spmem:s2], $0x40, s31, s21, $0xb8;
	[tilespmem:$0x1CF00] =	vst v63  }
0x37: {  	p0 =	sne.s32 s30, $0x9800;
	_ =	swait.ge [sflag:s17], $0x2000  }
0x38: {  	[sflag:s17] =	ssyncset.done $0x0  }
0x39: {  	s30 =	sadd.s32 $0x80, s31;
	[sflag:s17] =	ssyncadd.s32 $0xFFFFE000  }
0x3a: {  	[tilespmem:s23], [sflag:$0x2] =	stream.indirect.gather [spmem:s2], $0x40, s30, s21, $0xb8;
	[tilespmem:$0x1CF00] =	vst v63  }
0x3b: {  	s30 =	sadd.s32 $0x2780, s31  }
0x3c: {  	[spmem:s3] =	stream.indirect.scatter.add.f32 [tilespmem:s22], [sflag:$0x5], $0x40, s30, s21, $0xb8;
	[tilespmem:$0x1CF00] =	vst v63  }
0x3d: {  	_ =	swait.ge [sflag:s24], $0x2000  }
0x3e: {  	[sflag:s24] =	ssyncset.done $0x0  }
0x3f: {  	[sflag:s24] =	ssyncadd.s32 $0xFFFFE000  }
0x40: {  	_ =	swait.ge [sflag:s18], $0x2000  }
.Ltmp0:
0x41: {  	[sflag:s18] =	ssyncset.done $0x0;
	(pc) =	sbr.rel @p0 .LBB2_2-.Ltmp0, $4  }
0x42: {  	s30 =	sadd.s32 $0x2800, s31;
	[sflag:s18] =	ssyncadd.s32 $0xFFFFE000  }
0x43: {  	[spmem:s3] =	stream.indirect.scatter.add.f32 [tilespmem:s23], [sflag:$0x5], $0x40, s30, s21, $0xb8;
	[tilespmem:$0x1CF00] =	vst v63  }
0x44: {  	_ =	swait.ge [sflag:s24], $0x2000  }
0x45: {  	s30 =	smov.u32 s1;
	[sflag:s24] =	ssyncset.done $0x0  }
0x46: {  	s1 =	sshra.s32 s29, $0x2;
	[sflag:s24] =	ssyncadd.s32 $0xFFFFE000  }
0x47: {  	[tilespmem:s22], [sflag:$0x1] =	stream.indirect.gather [spmem:s2], $0x40, s1, s21, $0xb8;
	[tilespmem:$0x1CF00] =	vst v63  }
0x48: {  	_ =	swait.ge [sflag:s17], $0x2000  }
0x49: {  	[sflag:s17] =	ssyncset.done $0x0  }
0x4a: {  	s29 =	sadd.s32 $0x80, s1;
	[sflag:s17] =	ssyncadd.s32 $0xFFFFE000  }
0x4b: {  	[tilespmem:s23], [sflag:$0x2] =	stream.indirect.gather [spmem:s2], $0x40, s29, s21, $0xb8;
	[tilespmem:$0x1CF00] =	vst v63  }
0x4c: {  	s30 =	sadd.s32 $0x2780, s1  }
0x4d: {  	[spmem:s3] =	stream.indirect.scatter.add.f32 [tilespmem:s22], [sflag:$0x5], $0x40, s30, s21, $0xb8;
	[tilespmem:$0x1CF00] =	vst v63  }
0x4e: {  	_ =	swait.ge [sflag:s24], $0x2000  }
0x4f: {  	[sflag:s24] =	ssyncset.done $0x0  }
0x50: {  	[sflag:s24] =	ssyncadd.s32 $0xFFFFE000  }
0x51: {  	_ =	swait.ge [sflag:s18], $0x2000  }
0x52: {  	[sflag:s18] =	ssyncset.done $0x0  }
0x53: {  	s1 =	sadd.s32 $0x2800, s1;
	[sflag:s18] =	ssyncadd.s32 $0xFFFFE000  }
0x54: {  	[spmem:s3] =	stream.indirect.scatter.add.f32 [tilespmem:s23], [sflag:$0x5], $0x40, s1, s21, $0xb8;
	[tilespmem:$0x1CF00] =	vst v63  }
0x55: {  	_ =	swait.ge [sflag:s24], $0x2000  }
0x56: {  	[sflag:s24] =	ssyncset.done $0x0  }
0x57: {  	[sflag:s24] =	ssyncadd.s32 $0xFFFFE000  }
0x58: {  	[tilespmem:s22], [sflag:$0x1] =	stream.indirect.gather [spmem:s2], $0x40, s25, s21, $0xb8;
	[tilespmem:$0x1CF00] =	vst v63  }
0x59: {  	_ =	swait.ge [sflag:s17], $0x2000  }
0x5a: {  	[sflag:s17] =	ssyncset.done $0x0  }
0x5b: {  	[sflag:s17] =	ssyncadd.s32 $0xFFFFE000  }
0x5c: {  	[spmem:s3] =	stream.indirect.scatter.add.f32 [tilespmem:s22], [sflag:$0x5], $0x40, s26, s21, $0xb8;
	[tilespmem:$0x1CF00] =	vst v63  }
0x5d: {  	_ =	swait.ge [sflag:s24], $0x2000  }
0x5e: {  	s28 =	sadd.s32 $0x1, s28;
	[sflag:s24] =	ssyncset.done $0x0  }
0x5f: {  	p0 =	sne.s32 s28, s12;
	[sflag:s24] =	ssyncadd.s32 $0xFFFFE000  }
.Ltmp1:
0x60: {  	s31 =	sor.u32 $0x1C05, s5;
	[bflag:$0x0] =	sbarrier.arrive $0xFFFF;
	(pc) =	sbr.rel @p0 .LBB2_1-.Ltmp1, $4  }
0x61: {  	[hbm:s11], [sflag:s31] =	dma.local [spmem:s15], $0x1400  }
0x62: {  	_ =	swait.ge [sflag:s24], $0x1400  }
0x63: {  	[sflag:s24] =	ssyncset.done $0x0  }
0x64: {  	[sflag:s24] =	ssyncadd.s32 $0xFFFFEC00  }
0x65: {  	_ =	sfence.sel $0x180000  }
0x66: {  	[bflag:$0x0] =	sbarrier.arrive $0xFFFF  }
0x67: {  	_ =	strace $0x9000004D  }
0x68: {  	[bflag:$0x2] =	sbarrier.arrive $0xFFFF  }
0x69: {  	p0 =	sne.s32 s0, $0x0;
	s0 =	rddreg [dreg:$0x3]  }
0x6a: {  	s0 =	sadd.s32 @!p0 $0x100000, s0  }
0x6b: {  	[sflag:s0] =	ssyncadd.tile.s32 @!p0 $0x1;
	_ =	shalt  }
.Lfunc_end2:
_tile_overlayer_lowered:
.L_overlay_start_2:
0x6c: {  	(tag) =	ssettag $0x2  }
0x6d: {  	s0 =	rddreg [dreg:$0x0];
	s2 =	stileid.u32  }
0x6e: {  	s1 =	rddreg [dreg:$0x1];
	p0 =	sne.s32 s2, $0x0  }
0x6f: {  	s3 =	rddreg [dreg:$0x2];
	[bflag:$0x3] =	sbarrier.arrive $0xFFFF;
	s2 =	simm.s32 @!p0 $0x1C05  }
0x70: {  	[timem:s3], [sflag:s2] =	dma.local @!p0 [hbm:s0], s1  }
0x71: {  	s0 =	simm.s32 @!p0 $0x5  }
0x72: {  	_ =	swait.ge @!p0 [sflag:s0], s1  }
0x73: {  	s1 =	ssub.s32 @!p0 $0x0, s1;
	[sflag:s0] =	ssyncset.done @!p0 $0x0  }
0x74: {  	[sflag:s0] =	ssyncadd.s32 @!p0 s1  }
0x75: {  	[bflag:$0x3] =	sbarrier.arrive $0xFFFF  }
0x76: {  	_ =	shalt  }

// kernel: kernel.19.cloned.1.call-start
scs
__scs_entry_jumppad:
0x0: {  	(pc) =	sbr.rel $0x88, $3  }
0x1: {  	(tag) =	ssettag $0x0;
	lr =	simm.s32 $0x1  }
0x2: {  	[smem:$0x3F97] =	sst lr;
	_ =	strace $0xD0000000  }
0x3: {  	_ = 	snop  }
0x4: {  	_ = 	snop  }
0x5: {  	_ = 	snop  }
0x6: {  	_ = 	snop  }
0x7: {  	_ = 	snop  }
__scs_overlays_trampoline_lowered:
0x8: {  	[smem:$0x3FA6] =	sst s0  }
0x9: {  	[smem:$0x3FA7] =	sst s1  }
0xa: {  	[smem:$0x3FA8] =	sst s2  }
0xb: {  	[smem:$0x3FA9] =	sst s3  }
0xc: {  	[smem:$0x3FAA] =	sst s4  }
0xd: {  	[smem:$0x3FAB] =	sst s5  }
0xe: {  	[smem:$0x3FAC] =	sst s6  }
0xf: {  	[smem:$0x3FAD] =	sst s7  }
0x10: {  	[smem:$0x3FAE] =	sst s8  }
0x11: {  	[smem:$0x3FAF] =	sst s9;
	s0 =	simm.s32 @!p0 $0x0  }
0x12: {  	s1 =	sld [smem:$0x3F95];
	s0 =	simm.s32 @p0 $0x1  }
0x13: {  	[smem:$0x3FB0] =	sst s0;
	s0 =	simm.s32 @!p1 $0x0  }
0x14: {  	s2 =	sld [smem:$0x3F94];
	s0 =	simm.s32 @p1 $0x1  }
0x15: {  	[smem:$0x3FB1] =	sst s0;
	s0 =	simm.s32 @!p2 $0x0  }
0x16: {  	s3 =	sld [smem:$0x3FDB];
	s0 =	simm.s32 @p2 $0x1  }
0x17: {  	s4 =	simm.s32 $0x1BF5;
	[smem:$0x3FB3] =	sst s0  }
0x18: {  	s0 =	sld [smem:$0x3F96];
	_ =	swait.ge [sflag:s4], $0x0  }
0x19: {  	s7 =	sld [smem:$0x3F97]  }
0x1a: {  	s8 =	sadd.s32 $0xFFFFE003, lr  }
0x1b: {  	s9 =	sadd.s32 $0xFFFFFEF7, lr;
	s5 =	simm.s32 $0xFFFFFFFF;
	p2 =	slt.u32 s8, $0xFFFFF086  }
0x1c: {  	p1 =	slt.u32 s9, $0xF7A;
	s5 =	simm.s32 @!p2 $0x0  }
0x1d: {  	s5 =	simm.s32 @p1 $0x1;
	p0 =	seq.s32 s7, s2  }
0x1e: {  	s7 =	smul.u32 @!p0 $0xF7A, s2;
	p2 =	seq.s32 @!p0 s5, $0x0  }
0x1f: {  	s9 =	smul.u32 $0xF7A, s1;
	s8 =	simm.s32 @!p0 $0x1BF5;
	p2 =	por !p2, p0  }
0x20: {  	[sflag:s8] =	ssyncset.s32 @!p0 $0xFFFFF086;
	s6 =	sadd.s32 @!p0 s3, s7;
	s7 =	simm.s32 @!p0 $0x108  }
0x21: {  	s3 =	sadd.s32 s3, s9;
	s6 =	sadd.s32 @!p0 $0x88, s6;
	s7 =	simm.s32 @p2 $0x1082  }
0x22: {  	[simem:s7], [sflag:s8] =	dma.local @!p0 [hbm:s6], $0xF7A  }
0x23: {  	s9 =	sor.u32 $0xD0000000, s2;
	s6 =	simm.s32 $0x108;
	_ =	swait.ge @!p0 [sflag:s8], $0x0  }
0x24: {  	s3 =	sadd.s32 $0x88, s3;
	s6 =	simm.s32 @!p1 $0x1082;
	[sflag:s4] =	ssyncset.s32 $0xFFFFF086  }
0x25: {  	[simem:s6], [sflag:s4] =	dma.local [hbm:s3], $0xF7A  }
0x26: {  	[smem:$0x3F97] =	sst s1;
	(tag) =	ssettag s2;
	_ =	strace s9  }
0x27: {  	s1 =	sld [smem:$0x3FA7]  }
0x28: {  	s2 =	sld [smem:$0x3FA8]  }
0x29: {  	s4 =	sld [smem:$0x3FAA]  }
0x2a: {  	p0 =	seq.s32 s5, $0x0;
	s5 =	sld [smem:$0x3FAB]  }
0x2b: {  	s6 =	sld [smem:$0x3FAC]  }
0x2c: {  	s7 =	sld [smem:$0x3FAD]  }
0x2d: {  	s3 =	simm.s32 $0x108;
	s8 =	sld [smem:$0x3FAE]  }
0x2e: {  	s3 =	simm.s32 @!p0 $0x1082;
	s9 =	sld [smem:$0x3FAF]  }
0x2f: {  	lr =	sadd.s32 s0, s3;
	s0 =	sld [smem:$0x3FA6]  }
0x30: {  	s3 =	sld [smem:$0x3FA9]  }
0x31: {  	[smem:$0x3FB2] =	sst s10  }
0x32: {  	s10 =	sld [smem:$0x3FB0];
	_ =	sdelay $0x3  }
0x33: {  	p0 =	seq.s32 s10, $0x1;
	s10 =	sld [smem:$0x3FB2];
	_ =	sdelay $0x3  }
0x34: {  	[smem:$0x3FB2] =	sst s10  }
0x35: {  	s10 =	sld [smem:$0x3FB1];
	_ =	sdelay $0x3  }
0x36: {  	p1 =	seq.s32 s10, $0x1;
	s10 =	sld [smem:$0x3FB2];
	_ =	sdelay $0x3  }
0x37: {  	[smem:$0x3FB2] =	sst s10  }
0x38: {  	s10 =	sld [smem:$0x3FB3]  }
0x39: {  	_ = 	snop;
	(pc) =	sbr.ind lr, $3  }
0x3a: {  	_ = 	snop  }
0x3b: {  	_ = 	snop  }
0x3c: {  	p2 =	seq.s32 s10, $0x1;
	s10 =	sld [smem:$0x3FB2]  }
0x3d: {  	_ =	shalt  }
0x3e: {  	_ =	shalt  }
0x3f: {  	_ =	shalt  }
0x40: {  	_ =	shalt  }
0x41: {  	_ =	shalt  }
0x42: {  	_ =	shalt  }
0x43: {  	_ =	shalt  }
0x44: {  	_ =	shalt  }
0x45: {  	_ =	shalt  }
0x46: {  	_ =	shalt  }
0x47: {  	_ =	shalt  }
0x48: {  	_ =	shalt  }
0x49: {  	_ =	shalt  }
0x4a: {  	_ =	shalt  }
0x4b: {  	_ =	shalt  }
0x4c: {  	_ =	shalt  }
0x4d: {  	_ =	shalt  }
0x4e: {  	_ =	shalt  }
0x4f: {  	_ =	shalt  }
0x50: {  	_ =	shalt  }
0x51: {  	_ =	shalt  }
0x52: {  	_ =	shalt  }
0x53: {  	_ =	shalt  }
0x54: {  	_ =	shalt  }
0x55: {  	_ =	shalt  }
0x56: {  	_ =	shalt  }
0x57: {  	_ =	shalt  }
0x58: {  	_ =	shalt  }
0x59: {  	_ =	shalt  }
0x5a: {  	_ =	shalt  }
0x5b: {  	_ =	shalt  }
0x5c: {  	_ =	shalt  }
0x5d: {  	_ =	shalt  }
0x5e: {  	_ =	shalt  }
0x5f: {  	_ =	shalt  }
0x60: {  	_ =	shalt  }
0x61: {  	_ =	shalt  }
0x62: {  	_ =	shalt  }
0x63: {  	_ =	shalt  }
0x64: {  	_ =	shalt  }
0x65: {  	_ =	shalt  }
0x66: {  	_ =	shalt  }
0x67: {  	_ =	shalt  }
0x68: {  	_ =	shalt  }
0x69: {  	_ =	shalt  }
0x6a: {  	_ =	shalt  }
0x6b: {  	_ =	shalt  }
0x6c: {  	_ =	shalt  }
0x6d: {  	_ =	shalt  }
0x6e: {  	_ =	shalt  }
0x6f: {  	_ =	shalt  }
0x70: {  	_ =	shalt  }
0x71: {  	_ =	shalt  }
0x72: {  	_ =	shalt  }
0x73: {  	_ =	shalt  }
0x74: {  	_ =	shalt  }
0x75: {  	_ =	shalt  }
0x76: {  	_ =	shalt  }
0x77: {  	_ =	shalt  }
0x78: {  	_ =	shalt  }
0x79: {  	_ =	shalt  }
0x7a: {  	_ =	shalt  }
0x7b: {  	_ =	shalt  }
0x7c: {  	_ =	shalt  }
0x7d: {  	_ =	shalt  }
0x7e: {  	_ =	shalt  }
0x7f: {  	_ =	shalt  }
0x80: {  	_ =	shalt  }
0x81: {  	_ =	shalt  }
0x82: {  	_ =	shalt  }
0x83: {  	_ =	shalt  }
0x84: {  	_ =	shalt  }
0x85: {  	_ =	shalt  }
0x86: {  	_ =	shalt  }
0x87: {  	_ =	shalt  }
.Lfunc_end0:
.L_simem_size_0:
called_computation.3_lowered:
.L_overlay_start_0:
0x88: {  	s2 =	sld [smem:$0x3FD9]  }
0x89: {  	s3 =	sld [smem:$0x3FFE];
	_ =	sdelay $0x1  }
0x8a: {  	s1 =	srdreg.scid  }
0x8b: {  	s0 =	sand.u32 $0x1, s1  }
0x8c: {  	s16 =	sshll.u32 s0, $0xA;
	s2 =	sadd.s32 s3, s2  }
0x8d: {  	s2 =	sadd.s32 s2, s16  }
0x8e: {  	[smem:$0x3FBE] =	sst s2  }
0x8f: {  	_ = 	snop  }
0x90: {  	(tm) =	ssettm $0x1  }
0x91: {  	s17 =	sld [smem:$0x3FFB];
	_ =	sdelay $0x3  }
0x92: {  	_ =	strace s17  }
0x93: {  	s2 =	sld [smem:$0x3FFC];
	_ =	sdelay $0x3  }
0x94: {  	_ =	strace s2  }
0x95: {  	s2 =	sld [smem:$0x3FFD];
	_ =	sdelay $0x3  }
0x96: {  	_ =	strace s2  }
0x97: {  	_ =	strace $0x8FFFFFFF  }
0x98: {  	s18 =	sld [smem:$0x3FDB];
	_ =	sdelay $0x1  }
0x99: {  	s19 =	simm.s32 $_scs_section_size  }
0x9a: {  	s4 =	simm.s32 $_size__tile_overlayer_lowered;
	s5 =	simm.s32 $_tile_overlayer_lowered  }
0x9b: {  	s22 =	simm.s32 $0x1BFF;
	s21 =	sshll.u32 s5, $0x1;
	s2 =	sadd.s32 s19, s18  }
0x9c: {  	s6 =	simm.s32 $0x0;
	s20 =	sshll.u32 s4, $0x1;
	s4 =	sadd.s32 s21, s2  }
0x9d: {  	[timem:s6], [sflag:s22] =	dma.local [hbm:s4], s20  }
0x9e: {  	_ =	swait.ge [sflag:s22], s20  }
0x9f: {  	s3 =	ssub.s32 $0x0, s20;
	[sflag:s22] =	ssyncset.done $0x0  }
0xa0: {  	[sflag:s22] =	ssyncadd.s32 s3;
	_ =	sdelay $0x1  }
0xa1: {  	s23 =	simm.s32 $0x1B8B  }
0xa2: {  	_ =	swait.ge [sflag:s23], $0x1  }
0xa3: {  	[sflag:s23] =	ssyncset.done $0x0  }
0xa4: {  	s25 =	simm.s32 $0x1B8E;
	s24 =	sld [smem:$0x3FFE];
	[sflag:s23] =	ssyncadd.s32 $0xFFFFFFFF  }
0xa5: {  	s26 =	simm.s32 $execute0_lowered;
	[smem:$0x3FD2] =	sst s25  }
0xa6: {  	s4 =	sshll.u32 s26, $0x1;
	_ =	strace $0x8000004F;
	[dreg:$0x1] =	wrdreg $0xFFFFFFFF  }
0xa7: {  	s28 =	simm.s32 $_size_execute0_lowered;
	s2 =	sadd.s32 s2, s4;
	[dreg:$0x0] =	wrdreg $0x0  }
0xa8: {  	s4 =	sshll.u32 s28, $0x1;
	[dreg:$0x2] =	wrdreg s2  }
0xa9: {  	[dreg:$0x3] =	wrdreg s4  }
0xaa: {  	[dreg:$0x4] =	wrdreg $0xC0  }
0xab: {  	_ =	task [dreg:s6], $0x5FFFF  }
0xac: {  	[dreg:$0x1] =	wrdreg $0xFFFFFFFF  }
0xad: {  	[dreg:$0x0] =	wrdreg $0x60  }
0xae: {  	[dreg:$0x2] =	wrdreg s24  }
0xaf: {  	[dreg:$0x3] =	wrdreg $0x8F000  }
0xb0: {  	[dreg:$0x4] =	wrdreg $0x12F000  }
0xb1: {  	[dreg:$0x5] =	wrdreg $0x9  }
0xb2: {  	_ =	task.clear_ibuf [dreg:s6], $0x6FFFF;
	_ =	strace $0x9000004F  }
0xb3: {  	s29 =	simm.s32 $0x9;
	_ =	strace $0x80000051  }
0xb4: {  	_ =	swait.ge [sflag:s29], $0x1  }
0xb5: {  	[sflag:s29] =	ssyncadd.s32 $0xFFFFFFFF  }
0xb6: {  	_ =	strace $0x90000051  }
0xb7: {  	_ =	sfence  }
0xb8: {  	s30 =	sld [smem:$0x0];
	_ =	sdelay $0x2  }
0xb9: {  	s31 =	sshll.u32 s1, $0xD;
	s1 =	sshrl.u32 s1, $0x2  }
0xba: {  	s3 =	sand.u32 $0x4000, s31;
	s1 =	sadd.s32 s1, s30  }
0xbb: {  	s0 =	sor.u32 s3, s0;
	s1 =	sshll.u32 s1, $0x11  }
0xbc: {  	s0 =	sor.u32 s1, s0  }
0xbd: {  	s0 =	sadd.s32 $0x8F2B, s0  }
0xbe: {  	[sflag:s0] =	ssyncadd.remote.s32 $0x1  }
0xbf: {  	_ =	sfence.sel $0xFFFF  }
0xc0: {  	[dreg:$0x0] =	wrdreg $0xFFFFFFFF;
	(pc) =	sbr.abs _section_cstart, $3  }
0xc1: {  	[dreg:$0x1] =	wrdreg $0xFFFFFFFF  }
0xc2: {  	_ =	task.clear_ibuf [dreg:s6], $0x2FFFF;
	_ =	strace $0x9FFFFFFF  }
0xc3: {  	(tm) =	ssettm $0x7FFFFFFF  }
tec
execute0_lowered:
.L_overlay_start_1:
0x0: {  	(tag) =	ssettag $0x1  }
0x1: {  	s5 =	rddreg [dreg:$0x0]  }
0x2: {  	s1 =	srdreg.scid;
	s2 =	rddreg [dreg:$0x1]  }
0x3: {  	s0 =	stileid.u32;
	s3 =	rddreg [dreg:$0x2];
	s4 =	simm.s32 $0x0  }
0x4: {  	s16 =	simm.s32 $0x2780;
	s17 =	simm.s32 $0x1;
	s18 =	simm.s32 $0x2  }
0x5: {  	s19 =	simm.s32 $0x3;
	s20 =	simm.s32 $0x4;
	s21 =	simm.s32 $0x80  }
0x6: {  	s22 =	simm.s32 $0x4F00;
	s23 =	simm.s32 $0x6F00;
	s24 =	simm.s32 $0x5  }
0x7: {  	s25 =	simm.s32 $0x2700;
	s28 =	simm.s32 $0x0;
	s6 =	sand.u32 $0x1, s1  }
0x8: {  	s26 =	sshll.u32 s0, $0x1;
	s8 =	smul.u32 $0xA000, s0;
	[smem:$0x7FF] =	sst s4  }
0x9: {  	s1 =	sor.u32 s6, s26;
	s9 =	smul.u32 $0xA0000, s6;
	_ =	strace $0x80000050  }
0xa: {  	s6 =	ssub.s32 $0x2, s6;
	s26 =	simm.s32 $0x4E80;
	s7 =	smul.u32 $0x4F0, s1  }
0xb: {  	s29 =	sshrl.u32 s8, $0x3;
	s31 =	sshrl.u32 s6, $0x1;
	s14 =	sadd.s32 s8, s2  }
0xc: {  	s15 =	sadd.s32 s8, s3;
	s9 =	sadd.s32 s8, s9;
	s11 =	sadd.s32 s29, s5  }
0xd: {  	s13 =	ssub.s32 s6, s31;
	s15 =	sshrl.u32 s15, $0x3;
	s10 =	sadd.s32 s7, s5  }
0xe: {  	s30 =	sshrl.u32 s9, $0x3;
	s6 =	sadd.s32 $0x24E00, s11;
	s8 =	sadd.s32 $0x38E00, s11  }
0xf: {  	s12 =	sadd.s32 s30, s5;
	s5 =	sshll.u32 s0, $0x6;
	s9 =	sadd.s32 $0x1B000, s10  }
0x10: {  	s10 =	sadd.s32 $0x2000, s10;
	s7 =	sor.u32 $0x1C01, s5;
	s11 =	sadd.s32 $0x4CE00, s12  }
0x11: {  	s12 =	smax.u32 s13, $0x1;
	s13 =	sshrl.u32 s14, $0x3;
	s14 =	sor.u32 $0x1C02, s5  }
.LBB2_1:
0x12: {  	[spmem:s13], [sflag:s7] =	dma.local [hbm:s6], $0x1400  }
0x13: {  	[spmem:s15], [sflag:s14] =	dma.local [hbm:s8], $0x1400  }
0x14: {  	[tilespmem:s4], [sflag:$0x3] =	stream.linear.gather [hbm4b:s9+s4], $0x2780, $0x38;
	[tilespmem:$0x1CF00] =	vst v63  }
0x15: {  	_ = 	snop  }
0x16: {  	[tilespmem:s16], [sflag:$0x4] =	stream.linear.gather [hbm4b:s10+s4], $0x2780, $0x38;
	[tilespmem:$0x1CF00] =	vst v63  }
0x17: {  	_ =	swait.ge [sflag:s17], $0x1400  }
0x18: {  	[sflag:s17] =	ssyncset.done $0x0  }
0x19: {  	[sflag:s17] =	ssyncadd.s32 $0xFFFFEC00  }
0x1a: {  	_ =	swait.ge [sflag:s18], $0x1400  }
0x1b: {  	[sflag:s18] =	ssyncset.done $0x0  }
0x1c: {  	[sflag:s18] =	ssyncadd.s32 $0xFFFFEC00  }
0x1d: {  	_ =	swait.ge [sflag:s19], $0x2780  }
0x1e: {  	[sflag:s19] =	ssyncset.done $0x0  }
0x1f: {  	[sflag:s19] =	ssyncadd.s32 $0xFFFFD880  }
0x20: {  	_ =	swait.ge [sflag:s20], $0x2780  }
0x21: {  	[sflag:s20] =	ssyncset.done $0x0  }
0x22: {  	[sflag:s20] =	ssyncadd.s32 $0xFFFFD880  }
0x23: {  	s29 =	simm.s32 $0x0;
	[bflag:$0x0] =	sbarrier.arrive $0xFFFF  }
0x24: {  	[tilespmem:s22], [sflag:$0x1] =	stream.indirect.gather [spmem:s2], $0x40, s29, s21, $0xb8;
	[tilespmem:$0x1CF00] =	vst v63  }
0x25: {  	_ =	swait.ge [sflag:s17], $0x2000  }
0x26: {  	[sflag:s17] =	ssyncset.done $0x0  }
0x27: {  	s29 =	simm.s32 $0x80;
	[sflag:s17] =	ssyncadd.s32 $0xFFFFE000  }
0x28: {  	[tilespmem:s23], [sflag:$0x2] =	stream.indirect.gather [spmem:s2], $0x40, s29, s21, $0xb8;
	[tilespmem:$0x1CF00] =	vst v63  }
0x29: {  	s29 =	simm.s32 $0x2780  }
0x2a: {  	[spmem:s3] =	stream.indirect.scatter.add.f32 [tilespmem:s22], [sflag:$0x5], $0x40, s29, s21, $0xb8;
	[tilespmem:$0x1CF00] =	vst v63  }
0x2b: {  	_ =	swait.ge [sflag:s24], $0x2000  }
0x2c: {  	[sflag:s24] =	ssyncset.done $0x0  }
0x2d: {  	[sflag:s24] =	ssyncadd.s32 $0xFFFFE000  }
0x2e: {  	_ =	swait.ge [sflag:s18], $0x2000  }
0x2f: {  	[sflag:s18] =	ssyncset.done $0x0  }
0x30: {  	s29 =	simm.s32 $0x2800;
	[sflag:s18] =	ssyncadd.s32 $0xFFFFE000  }
0x31: {  	[spmem:s3] =	stream.indirect.scatter.add.f32 [tilespmem:s23], [sflag:$0x5], $0x40, s29, s21, $0xb8;
	[tilespmem:$0x1CF00] =	vst v63  }
0x32: {  	_ =	swait.ge [sflag:s24], $0x2000  }
0x33: {  	s30 =	simm.s32 $0x800;
	s29 =	simm.s32 $0x400;
	[sflag:s24] =	ssyncset.done $0x0  }
.LBB2_2:
0x34: {  	s31 =	sshra.s32 s29, $0x2  }
0x35: {  	[sflag:s24] =	ssyncadd.s32 $0xFFFFE000;
	s29 =	smov.u32 s30;
	s1 =	sadd.s32 $0x400, s30  }
0x36: {  	[tilespmem:s22], [sflag:$0x1] =	stream.indirect.gather [spmem:s2], $0x40, s31, s21, $0xb8;
	[tilespmem:$0x1CF00] =	vst v63  }
0x37: {  	p0 =	sne.s32 s30, $0x9800;
	_ =	swait.ge [sflag:s17], $0x2000  }
0x38: {  	[sflag:s17] =	ssyncset.done $0x0  }
0x39: {  	s30 =	sadd.s32 $0x80, s31;
	[sflag:s17] =	ssyncadd.s32 $0xFFFFE000  }
0x3a: {  	[tilespmem:s23], [sflag:$0x2] =	stream.indirect.gather [spmem:s2], $0x40, s30, s21, $0xb8;
	[tilespmem:$0x1CF00] =	vst v63  }
0x3b: {  	s30 =	sadd.s32 $0x2780, s31  }
0x3c: {  	[spmem:s3] =	stream.indirect.scatter.add.f32 [tilespmem:s22], [sflag:$0x5], $0x40, s30, s21, $0xb8;
	[tilespmem:$0x1CF00] =	vst v63  }
0x3d: {  	_ =	swait.ge [sflag:s24], $0x2000  }
0x3e: {  	[sflag:s24] =	ssyncset.done $0x0  }
0x3f: {  	[sflag:s24] =	ssyncadd.s32 $0xFFFFE000  }
0x40: {  	_ =	swait.ge [sflag:s18], $0x2000  }
.Ltmp0:
0x41: {  	[sflag:s18] =	ssyncset.done $0x0;
	(pc) =	sbr.rel @p0 .LBB2_2-.Ltmp0, $4  }
0x42: {  	s30 =	sadd.s32 $0x2800, s31;
	[sflag:s18] =	ssyncadd.s32 $0xFFFFE000  }
0x43: {  	[spmem:s3] =	stream.indirect.scatter.add.f32 [tilespmem:s23], [sflag:$0x5], $0x40, s30, s21, $0xb8;
	[tilespmem:$0x1CF00] =	vst v63  }
0x44: {  	_ =	swait.ge [sflag:s24], $0x2000  }
0x45: {  	s30 =	smov.u32 s1;
	[sflag:s24] =	ssyncset.done $0x0  }
0x46: {  	s1 =	sshra.s32 s29, $0x2;
	[sflag:s24] =	ssyncadd.s32 $0xFFFFE000  }
0x47: {  	[tilespmem:s22], [sflag:$0x1] =	stream.indirect.gather [spmem:s2], $0x40, s1, s21, $0xb8;
	[tilespmem:$0x1CF00] =	vst v63  }
0x48: {  	_ =	swait.ge [sflag:s17], $0x2000  }
0x49: {  	[sflag:s17] =	ssyncset.done $0x0  }
0x4a: {  	s29 =	sadd.s32 $0x80, s1;
	[sflag:s17] =	ssyncadd.s32 $0xFFFFE000  }
0x4b: {  	[tilespmem:s23], [sflag:$0x2] =	stream.indirect.gather [spmem:s2], $0x40, s29, s21, $0xb8;
	[tilespmem:$0x1CF00] =	vst v63  }
0x4c: {  	s30 =	sadd.s32 $0x2780, s1  }
0x4d: {  	[spmem:s3] =	stream.indirect.scatter.add.f32 [tilespmem:s22], [sflag:$0x5], $0x40, s30, s21, $0xb8;
	[tilespmem:$0x1CF00] =	vst v63  }
0x4e: {  	_ =	swait.ge [sflag:s24], $0x2000  }
0x4f: {  	[sflag:s24] =	ssyncset.done $0x0  }
0x50: {  	[sflag:s24] =	ssyncadd.s32 $0xFFFFE000  }
0x51: {  	_ =	swait.ge [sflag:s18], $0x2000  }
0x52: {  	[sflag:s18] =	ssyncset.done $0x0  }
0x53: {  	s1 =	sadd.s32 $0x2800, s1;
	[sflag:s18] =	ssyncadd.s32 $0xFFFFE000  }
0x54: {  	[spmem:s3] =	stream.indirect.scatter.add.f32 [tilespmem:s23], [sflag:$0x5], $0x40, s1, s21, $0xb8;
	[tilespmem:$0x1CF00] =	vst v63  }
0x55: {  	_ =	swait.ge [sflag:s24], $0x2000  }
0x56: {  	[sflag:s24] =	ssyncset.done $0x0  }
0x57: {  	[sflag:s24] =	ssyncadd.s32 $0xFFFFE000  }
0x58: {  	[tilespmem:s22], [sflag:$0x1] =	stream.indirect.gather [spmem:s2], $0x40, s25, s21, $0xb8;
	[tilespmem:$0x1CF00] =	vst v63  }
0x59: {  	_ =	swait.ge [sflag:s17], $0x2000  }
0x5a: {  	[sflag:s17] =	ssyncset.done $0x0  }
0x5b: {  	[sflag:s17] =	ssyncadd.s32 $0xFFFFE000  }
0x5c: {  	[spmem:s3] =	stream.indirect.scatter.add.f32 [tilespmem:s22], [sflag:$0x5], $0x40, s26, s21, $0xb8;
	[tilespmem:$0x1CF00] =	vst v63  }
0x5d: {  	_ =	swait.ge [sflag:s24], $0x2000  }
0x5e: {  	s28 =	sadd.s32 $0x1, s28;
	[sflag:s24] =	ssyncset.done $0x0  }
0x5f: {  	p0 =	sne.s32 s28, s12;
	[sflag:s24] =	ssyncadd.s32 $0xFFFFE000  }
.Ltmp1:
0x60: {  	s31 =	sor.u32 $0x1C05, s5;
	[bflag:$0x0] =	sbarrier.arrive $0xFFFF;
	(pc) =	sbr.rel @p0 .LBB2_1-.Ltmp1, $4  }
0x61: {  	[hbm:s11], [sflag:s31] =	dma.local [spmem:s15], $0x1400  }
0x62: {  	_ =	swait.ge [sflag:s24], $0x1400  }
0x63: {  	[sflag:s24] =	ssyncset.done $0x0  }
0x64: {  	[sflag:s24] =	ssyncadd.s32 $0xFFFFEC00  }
0x65: {  	_ =	sfence.sel $0x180000  }
0x66: {  	[bflag:$0x0] =	sbarrier.arrive $0xFFFF  }
0x67: {  	_ =	strace $0x90000050  }
0x68: {  	[bflag:$0x2] =	sbarrier.arrive $0xFFFF  }
0x69: {  	p0 =	sne.s32 s0, $0x0;
	s0 =	rddreg [dreg:$0x3]  }
0x6a: {  	s0 =	sadd.s32 @!p0 $0x100000, s0  }
0x6b: {  	[sflag:s0] =	ssyncadd.tile.s32 @!p0 $0x1;
	_ =	shalt  }
.Lfunc_end2:
_tile_overlayer_lowered:
.L_overlay_start_2:
0x6c: {  	(tag) =	ssettag $0x2  }
0x6d: {  	s0 =	rddreg [dreg:$0x0];
	s2 =	stileid.u32  }
0x6e: {  	s1 =	rddreg [dreg:$0x1];
	p0 =	sne.s32 s2, $0x0  }
0x6f: {  	s3 =	rddreg [dreg:$0x2];
	[bflag:$0x3] =	sbarrier.arrive $0xFFFF;
	s2 =	simm.s32 @!p0 $0x1C05  }
0x70: {  	[timem:s3], [sflag:s2] =	dma.local @!p0 [hbm:s0], s1  }
0x71: {  	s0 =	simm.s32 @!p0 $0x5  }
0x72: {  	_ =	swait.ge @!p0 [sflag:s0], s1  }
0x73: {  	s1 =	ssub.s32 @!p0 $0x0, s1;
	[sflag:s0] =	ssyncset.done @!p0 $0x0  }
0x74: {  	[sflag:s0] =	ssyncadd.s32 @!p0 s1  }
0x75: {  	[bflag:$0x3] =	sbarrier.arrive $0xFFFF  }
0x76: {  	_ =	shalt  }

</sc_bundles>
